<compile_context>
chip_gen: v7x
topology: tpu7x:2x2x1
jax: 0.10.2.dev20260603
libtpu: 0.0.44.dev20260713+nightly
codegen_flags: <defaults>
</compile_context>

<pallas_src>
import functools

import jax
import jax.numpy as jnp
from jax import lax
from jax.experimental import pallas as pl
from jax.experimental.pallas import tpu as pltpu
from jax.experimental.pallas import tpu_sc as plsc

N = 10000
E = 320000
F_IN = 128
H = 256
D_E = 4
KAN_OUT = 100
GS = 5
SO = 3

NPAD = 10240
RB = 1024
KOUT_PAD = 128

_KNOT_H = 2.0 / GS
_KNOT0 = -SO * _KNOT_H - 1.0
_NKNOT = GS + 2 * SO + 1


def _knot(t):
    return _KNOT0 + _KNOT_H * t


def _splines8(x):
    bases = [
        jnp.where((x >= _knot(j)) & (x < _knot(j + 1)), 1.0, 0.0).astype(jnp.float32)
        for j in range(_NKNOT - 1)
    ]
    for k in range(1, SO + 1):
        inv = 1.0 / (k * _KNOT_H)
        bases = [
            (x - _knot(j)) * inv * bases[j]
            + (_knot(j + k + 1) - x) * inv * bases[j + 1]
            for j in range(len(bases) - 1)
        ]
    return bases


def _lrelu(v, s):
    return jnp.where(v >= 0, v, s * v)


def _finish_h(acc, den, bias, res, relu, resid):
    h = acc / (den + 1e-16) + bias
    if relu:
        h = _lrelu(h, 0.01)
    if resid:
        h = h + res
    return h


def _mm2_first_kernel(h_ref, wl_ref, wr_ref, xl_ref, xr_ref):
    h = h_ref[...]
    xl_ref[...] = jnp.dot(h, wl_ref[...], preferred_element_type=jnp.float32)
    xr_ref[...] = jnp.dot(h, wr_ref[...], preferred_element_type=jnp.float32)


def _mm2_first(h, wl, wr):
    return pl.pallas_call(
        _mm2_first_kernel,
        grid=(NPAD // RB,),
        in_specs=[
            pl.BlockSpec((RB, h.shape[1]), lambda i: (i, 0)),
            pl.BlockSpec((h.shape[1], H), lambda i: (0, 0)),
            pl.BlockSpec((h.shape[1], H), lambda i: (0, 0)),
        ],
        out_specs=[
            pl.BlockSpec((RB, H), lambda i: (i, 0)),
            pl.BlockSpec((RB, H), lambda i: (i, 0)),
        ],
        out_shape=[
            jax.ShapeDtypeStruct((NPAD, H), jnp.float32),
            jax.ShapeDtypeStruct((NPAD, H), jnp.float32),
        ],
    )(h, wl, wr)


def _act_mm2_kernel(acc_ref, den_ref, bias_ref, res_ref, wl_ref, wr_ref,
                    h_ref, xl_ref, xr_ref, *, relu, resid):
    h = _finish_h(acc_ref[...], den_ref[...], bias_ref[...],
                  res_ref[...] if resid else None, relu, resid)
    h_ref[...] = h
    xl_ref[...] = jnp.dot(h, wl_ref[...], preferred_element_type=jnp.float32)
    xr_ref[...] = jnp.dot(h, wr_ref[...], preferred_element_type=jnp.float32)


def _act_mm2(acc, den, bias, res, wl, wr, relu, resid):
    return pl.pallas_call(
        functools.partial(_act_mm2_kernel, relu=relu, resid=resid),
        grid=(NPAD // RB,),
        in_specs=[
            pl.BlockSpec((RB, H), lambda i: (i, 0)),
            pl.BlockSpec((RB, 1), lambda i: (i, 0)),
            pl.BlockSpec((1, H), lambda i: (0, 0)),
            pl.BlockSpec((RB, H), lambda i: (i, 0)),
            pl.BlockSpec((H, H), lambda i: (0, 0)),
            pl.BlockSpec((H, H), lambda i: (0, 0)),
        ],
        out_specs=[
            pl.BlockSpec((RB, H), lambda i: (i, 0)),
            pl.BlockSpec((RB, H), lambda i: (i, 0)),
            pl.BlockSpec((RB, H), lambda i: (i, 0)),
        ],
        out_shape=[
            jax.ShapeDtypeStruct((NPAD, H), jnp.float32),
            jax.ShapeDtypeStruct((NPAD, H), jnp.float32),
            jax.ShapeDtypeStruct((NPAD, H), jnp.float32),
        ],
    )(acc, den, bias, res, wl, wr)


def _kan_kernel(acc_ref, den_ref, bias_ref, bT_ref, sT_ref, blT_ref, slT_ref, out_ref):
    h = _finish_h(acc_ref[...], den_ref[...], bias_ref[...], None, False, False)
    for i in range(3):
        s = jnp.dot(h * jax.nn.sigmoid(h), bT_ref[i],
                    preferred_element_type=jnp.float32)
        for j, b in enumerate(_splines8(h)):
            s = s + jnp.dot(b, sT_ref[i, j], preferred_element_type=jnp.float32)
        h = s
    s = jnp.dot(h * jax.nn.sigmoid(h), blT_ref[...],
                preferred_element_type=jnp.float32)
    for j, b in enumerate(_splines8(h)):
        s = s + jnp.dot(b, slT_ref[j], preferred_element_type=jnp.float32)
    out_ref[...] = s


def _kan_stack(acc, den, bias, bT, sT, blT, slT):
    return pl.pallas_call(
        _kan_kernel,
        grid=(NPAD // RB,),
        in_specs=[
            pl.BlockSpec((RB, H), lambda i: (i, 0)),
            pl.BlockSpec((RB, 1), lambda i: (i, 0)),
            pl.BlockSpec((1, H), lambda i: (0, 0)),
            pl.BlockSpec((3, H, H), lambda i: (0, 0, 0)),
            pl.BlockSpec((3, 8, H, H), lambda i: (0, 0, 0, 0)),
            pl.BlockSpec((H, KOUT_PAD), lambda i: (0, 0)),
            pl.BlockSpec((8, H, KOUT_PAD), lambda i: (0, 0, 0)),
        ],
        out_specs=pl.BlockSpec((RB, KOUT_PAD), lambda i: (i, 0)),
        out_shape=jax.ShapeDtypeStruct((NPAD, KOUT_PAD), jnp.float32),
    )(acc, den, bias, bT, sT, blT, slT)


NW = 32
NB = NPAD // NW
NBT = NB + 1
CAP = 12288
GRP = 128
CH = 2000

def _mesh():
    return plsc.VectorSubcoreMesh(core_axis_name="c", subcore_axis_name="s")


def _wid():
    return lax.axis_index("s") * 2 + lax.axis_index("c")


def _partition_body(src_hbm, dst_hbm, e0_hbm, e1_hbm, e2_hbm, e3_hbm,
                    srcb_hbm, dstb_hbm, b0_hbm, b1_hbm, b2_hbm, b3_hbm, cnt_hbm,
                    srcl, dstl, l0, l1, l2, l3,
                    srct, dstt, t0, t1, t2, t3, cntv):
    w = _wid()
    lo = w * NB

    def blk_body(blk, cnt):
        off = blk * CH
        pltpu.sync_copy(src_hbm.at[pl.ds(off, CH)], srct)
        pltpu.sync_copy(dst_hbm.at[pl.ds(off, CH)], dstt)
        pltpu.sync_copy(e0_hbm.at[pl.ds(off, CH)], t0)
        pltpu.sync_copy(e1_hbm.at[pl.ds(off, CH)], t1)
        pltpu.sync_copy(e2_hbm.at[pl.ds(off, CH)], t2)
        pltpu.sync_copy(e3_hbm.at[pl.ds(off, CH)], t3)

        def v_body(v, cnt):
            sl = pl.ds(v * 16, 16)
            d = dstt[sl]
            msk = (d >= lo) & (d < lo + NB)
            mi = msk.astype(jnp.int32)
            pos = cnt + plsc.cumsum(mi) - 1
            plsc.store_scatter(srcl, [pos], srct[sl], mask=msk)
            plsc.store_scatter(dstl, [pos], d, mask=msk)
            plsc.store_scatter(l0, [pos], t0[sl], mask=msk)
            plsc.store_scatter(l1, [pos], t1[sl], mask=msk)
            plsc.store_scatter(l2, [pos], t2[sl], mask=msk)
            plsc.store_scatter(l3, [pos], t3[sl], mask=msk)
            return cnt + jnp.sum(mi, axis=0)

        return lax.fori_loop(0, CH // 16, v_body, cnt)

    cnt = lax.fori_loop(0, E // CH, blk_body, jnp.int32(0))

    zi = jnp.zeros((16,), jnp.int32)
    zf = jnp.zeros((16,), jnp.float32)
    sent_d = jnp.full((16,), lo + NB, jnp.int32)
    for t in range(GRP // 16):
        sl = pl.ds(cnt + 16 * t, 16)
        srcl[sl] = zi
        dstl[sl] = sent_d
        l0[sl] = zf
        l1[sl] = zf
        l2[sl] = zf
        l3[sl] = zf
    cnt_pad = ((cnt + GRP - 1) // GRP) * GRP

    pltpu.sync_copy(srcl, srcb_hbm.at[w])
    pltpu.sync_copy(dstl, dstb_hbm.at[w])
    pltpu.sync_copy(l0, b0_hbm.at[w])
    pltpu.sync_copy(l1, b1_hbm.at[w])
    pltpu.sync_copy(l2, b2_hbm.at[w])
    pltpu.sync_copy(l3, b3_hbm.at[w])
    cntv[...] = jnp.full((16,), cnt_pad, jnp.int32)
    pltpu.sync_copy(cntv, cnt_hbm.at[w])


@jax.jit
def _partition(src, dst, e0, e1, e2, e3):
    f = pl.kernel(
        _partition_body,
        out_type=[
            jax.ShapeDtypeStruct((NW, CAP), jnp.int32),
            jax.ShapeDtypeStruct((NW, CAP), jnp.int32),
            jax.ShapeDtypeStruct((NW, CAP), jnp.float32),
            jax.ShapeDtypeStruct((NW, CAP), jnp.float32),
            jax.ShapeDtypeStruct((NW, CAP), jnp.float32),
            jax.ShapeDtypeStruct((NW, CAP), jnp.float32),
            jax.ShapeDtypeStruct((NW, 16), jnp.int32),
        ],
        mesh=_mesh(),
        compiler_params=pltpu.CompilerParams(needs_layout_passes=False),
        scratch_types=[
            pltpu.VMEM((CAP,), jnp.int32),
            pltpu.VMEM((CAP,), jnp.int32),
            pltpu.VMEM((CAP,), jnp.float32),
            pltpu.VMEM((CAP,), jnp.float32),
            pltpu.VMEM((CAP,), jnp.float32),
            pltpu.VMEM((CAP,), jnp.float32),
            pltpu.VMEM((CH,), jnp.int32),
            pltpu.VMEM((CH,), jnp.int32),
            pltpu.VMEM((CH,), jnp.float32),
            pltpu.VMEM((CH,), jnp.float32),
            pltpu.VMEM((CH,), jnp.float32),
            pltpu.VMEM((CH,), jnp.float32),
            pltpu.VMEM((16,), jnp.int32),
        ],
    )
    return f(src, dst, e0, e1, e2, e3)


def _edge_body(xl_hbm, xr_hbm, srcb, dstb, b0, b1, b2, b3, cntb, we_hbm, att_hbm,
               acc_hbm, den_hbm, lg_hbm,
               tab, xlrows, m_tab, den_tab,
               srcv, dstv, v0, v1, v2, v3, wv, lgv,
               sem, wesp, attsp, cntsp, dstsp, we_s, att_s, dst_s, cnt_s):
    w = _wid()
    sid = lax.axis_index("s")
    lo = w * NB
    lanes = lax.iota(jnp.int32, 16)

    pltpu.sync_copy(we_hbm, wesp.at[sid])
    pltpu.sync_copy(wesp.at[sid], we_s)
    pltpu.sync_copy(att_hbm, attsp.at[sid])
    pltpu.sync_copy(attsp.at[sid], att_s)
    pltpu.sync_copy(cntb.at[w], cntsp.at[sid])
    pltpu.sync_copy(cntsp.at[sid], cnt_s)
    ngrp = cnt_s[0] // GRP

    pltpu.sync_copy(xr_hbm.at[pl.ds(lo, NB)], tab.at[pl.ds(0, NB)])
    zf = jnp.zeros((16,), jnp.float32)
    for c in range(H // 16):
        tab[NB, pl.ds(c * 16, 16)] = zf
    neg = jnp.full((16,), -1e30, jnp.float32)
    for r in range(NBT // 16 + 1):
        m_tab[pl.ds(r * 16, 16)] = neg

    def fetch_group(g):
        base = pl.ds(g * GRP, GRP)
        pltpu.sync_copy(srcb.at[w, base], srcv)
        pltpu.sync_copy(dstb.at[w, base], dstv)
        pltpu.async_copy(xl_hbm.at[srcv], xlrows, sem).wait()

    def pass_a(g, carry):
        fetch_group(g)
        base = pl.ds(g * GRP, GRP)
        pltpu.sync_copy(b0.at[w, base], v0)
        pltpu.sync_copy(b1.at[w, base], v1)
        pltpu.sync_copy(b2.at[w, base], v2)
        pltpu.sync_copy(b3.at[w, base], v3)
        for j in range(GRP // 16):
            sl = pl.ds(j * 16, 16)
            dl = dstv[sl] - lo
            ea0, ea1, ea2, ea3 = v0[sl], v1[sl], v2[sl], v3[sl]
            ei = lanes + (j * 16)

            def col_blk(cb, lg):
                for u in range(16):
                    c = cb * 16 + u
                    cc = jnp.full((16,), c, jnp.int32)
                    xlc = plsc.load_gather(xlrows, [ei, cc])
                    xrc = plsc.load_gather(tab, [dl, cc])
                    v = (xlc + xrc + ea0 * we_s[0, c] + ea1 * we_s[1, c]
                         + ea2 * we_s[2, c] + ea3 * we_s[3, c])
                    lg = lg + jnp.maximum(v, 0.2 * v) * att_s[c]
                return lg

            lg = lax.fori_loop(0, H // 16, col_blk, jnp.zeros((16,), jnp.float32))
            lgv[sl] = lg
            mold = plsc.load_gather(m_tab, [dl])
            plsc.store_scatter(m_tab, [dl], jnp.maximum(mold, lg))
        pltpu.sync_copy(lgv, lg_hbm.at[w, base])
        return carry

    lax.fori_loop(0, ngrp, pass_a, jnp.int32(0))

    def zero_row(r, carry):
        for c in range(H // 16):
            tab[r, pl.ds(c * 16, 16)] = zf
        den_tab[pl.ds(r * 16, 16)] = zf
        return carry

    lax.fori_loop(0, NBT, zero_row, jnp.int32(0))

    def pass_b(g, carry):
        fetch_group(g)
        base = pl.ds(g * GRP, GRP)
        pltpu.sync_copy(lg_hbm.at[w, base], lgv)
        pltpu.sync_copy(dstb.at[w, base], dstsp.at[sid])
        pltpu.sync_copy(dstsp.at[sid], dst_s)
        for j in range(GRP // 16):
            sl = pl.ds(j * 16, 16)
            dl = dstv[sl] - lo
            mv = plsc.load_gather(m_tab, [dl])
            wv[sl] = jnp.exp(jnp.clip(lgv[sl] - mv, -100.0, 80.0))
        def edge_body(e, carry2):
            drow = dst_s[e] - lo
            wspl = plsc.load_gather(wv, [jnp.full((16,), e, jnp.int32)])
            for c in range(H // 16):
                cs = pl.ds(c * 16, 16)
                tab[drow, cs] = tab[drow, cs] + wspl * xlrows[e, cs]
            ds16 = pl.ds(drow * 16, 16)
            den_tab[ds16] = den_tab[ds16] + wspl
            return carry2

        return lax.fori_loop(0, GRP, edge_body, carry)

    lax.fori_loop(0, ngrp, pass_b, jnp.int32(0))

    pltpu.sync_copy(tab.at[pl.ds(0, NB)], acc_hbm.at[pl.ds(lo, NB)])
    pltpu.sync_copy(den_tab.at[pl.ds(0, NB * 16)], den_hbm.at[pl.ds(lo * 16, NB * 16)])


@jax.jit
def _edge_sc(xl, xr, srcb, dstb, b0, b1, b2, b3, cntb, we, att):
    f = pl.kernel(
        _edge_body,
        out_type=[
            jax.ShapeDtypeStruct((NPAD, H), jnp.float32),
            jax.ShapeDtypeStruct((NPAD * 16,), jnp.float32),
            jax.ShapeDtypeStruct((NW, CAP), jnp.float32),
        ],
        mesh=_mesh(),
        compiler_params=pltpu.CompilerParams(needs_layout_passes=False),
        scratch_types=[
            pltpu.VMEM((NBT, H), jnp.float32),
            pltpu.VMEM((GRP, H), jnp.float32),
            pltpu.VMEM((NBT + 16,), jnp.float32),
            pltpu.VMEM((NBT * 16,), jnp.float32),
            pltpu.VMEM((GRP,), jnp.int32),
            pltpu.VMEM((GRP,), jnp.int32),
            pltpu.VMEM((GRP,), jnp.float32),
            pltpu.VMEM((GRP,), jnp.float32),
            pltpu.VMEM((GRP,), jnp.float32),
            pltpu.VMEM((GRP,), jnp.float32),
            pltpu.VMEM((GRP,), jnp.float32),
            pltpu.VMEM((GRP,), jnp.float32),
            pltpu.SemaphoreType.DMA,
            pltpu.VMEM_SHARED((16, D_E, H), jnp.float32),
            pltpu.VMEM_SHARED((16, H), jnp.float32),
            pltpu.VMEM_SHARED((16, 16), jnp.int32),
            pltpu.VMEM_SHARED((16, GRP), jnp.int32),
            pltpu.SMEM((D_E, H), jnp.float32),
            pltpu.SMEM((H,), jnp.float32),
            pltpu.SMEM((GRP,), jnp.int32),
            pltpu.SMEM((16,), jnp.int32),
        ],
    )
    acc, den, _ = f(xl, xr, srcb, dstb, b0, b1, b2, b3, cntb, we, att)
    return acc, den.reshape(NPAD, 16)[:, :1]


def _edge_xla(xl, xr, src, dst, edge_attr, we, att):
    logit = _lrelu(xl[src] + xr[dst] + edge_attr @ we, 0.2) @ att
    m = jax.ops.segment_max(logit, dst, num_segments=NPAD)
    m = jnp.where(jnp.isfinite(m), m, 0.0)
    a = jnp.exp(logit - m[dst])
    den = jax.ops.segment_sum(a, dst, num_segments=NPAD)
    acc = jax.ops.segment_sum(xl[src] * a[:, None], dst, num_segments=NPAD)
    return acc, den[:, None]


def kernel(x, edge_attr, W0l, W0r, W0e, a0, b0, Wls, Wrs, Wes, atts, biases,
           kan_base, kan_spline, kan_base_last, kan_spline_last, edge_index):
    src, dst = edge_index[0], edge_index[1]
    xp = jnp.pad(x, ((0, NPAD - N), (0, 0)))
    ecols = [jnp.asarray(edge_attr[:, j]) for j in range(D_E)]
    srcb, dstb, c0, c1, c2, c3, cntb = _partition(src, dst, *ecols)
    bkt = (srcb, dstb, c0, c1, c2, c3, cntb)

    xl, xr = _mm2_first(xp, W0l, W0r)
    acc, den = _edge_sc(xl, xr, *bkt, W0e, a0)
    bias = b0[None, :]
    h = None
    for i in range(5):
        resid = 0 < i
        res = h if resid else jnp.zeros((NPAD, H), jnp.float32)
        h, xl, xr = _act_mm2(acc, den, bias, res, Wls[i], Wrs[i], True, resid)
        acc, den = _edge_sc(xl, xr, *bkt, Wes[i], atts[i])
        bias = biases[i][None, :]

    bT = jnp.transpose(kan_base, (0, 2, 1))
    sT = jnp.transpose(kan_spline, (0, 3, 2, 1))
    blT = jnp.pad(kan_base_last.T, ((0, 0), (0, KOUT_PAD - KAN_OUT)))
    slT = jnp.pad(jnp.transpose(kan_spline_last, (2, 1, 0)),
                  ((0, 0), (0, 0), (0, KOUT_PAD - KAN_OUT)))
    out = _kan_stack(acc, den, bias, bT, sT, blT, slT)
    return out[:N, :KAN_OUT]

# --- scband reference (transcript-rebuilt; emitter-appended) ---
"""Pipeline reference for scband-graph-kanfield-87162066305783 (READ-ONLY COPY).

The authoritative reference and input builder live on the scoring server;
editing this copy changes nothing except your own understanding.
"""

import jax, jax.numpy as jnp
import numpy as np

N = 10000
E = 320000
F_IN = 128
H = 256
D_E = 4
KAN_OUT = 100
GS = 5
SO = 3


def make_grid(in_features):
    h = 2.0 / GS
    g = jnp.arange(-SO, GS + SO + 1, dtype=jnp.float32) * h - 1.0
    return jnp.tile(g[None, :], (in_features, 1))


def b_splines(x, grid):
    x = x[..., None]
    bases = ((x >= grid[:, :-1]) & (x < grid[:, 1:])).astype(x.dtype)
    for k in range(1, SO + 1):
        left = (x - grid[:, : -(k + 1)]) / (grid[:, k:-1] - grid[:, : -(k + 1)])
        right = (grid[:, k + 1:] - x) / (grid[:, k + 1:] - grid[:, 1:-k])
        bases = left * bases[..., :-1] + right * bases[..., 1:]
    return bases


def kan_linear(x, base_w, spline_w, grid):
    base = jax.nn.silu(x) @ base_w.T
    sp = b_splines(x, grid).reshape(x.shape[0], -1) @ spline_w.reshape(spline_w.shape[0], -1).T
    return base + sp


def gatv2(x, src, dst, edge_attr, Wl, Wr, We, att, bias):
    n = x.shape[0]
    xl = x @ Wl
    xr = x @ Wr
    e = jax.nn.leaky_relu(xl[src] + xr[dst] + edge_attr @ We, 0.2)
    logit = e @ att
    m = jax.ops.segment_max(logit, dst, num_segments=n)
    m = jnp.where(jnp.isfinite(m), m, 0.0)
    a = jnp.exp(logit - m[dst])
    denom = jax.ops.segment_sum(a, dst, num_segments=n)
    a = a / (denom[dst] + 1e-16)
    out = jax.ops.segment_sum(xl[src] * a[:, None], dst, num_segments=n)
    return out + bias


def setup_inputs(seed: int = 0):
    key = jax.random.key(seed)
    ks = jax.random.split(key, 18)
    sc = lambda d: 1.0 / np.sqrt(d)
    x = jax.random.normal(ks[0], (N, F_IN), dtype=jnp.float32)
    edge_index = jax.random.randint(ks[1], (2, E), 0, N, dtype=jnp.int32)
    edge_attr = jax.random.normal(ks[2], (E, D_E), dtype=jnp.float32)
    W0l = jax.random.normal(ks[3], (F_IN, H), dtype=jnp.float32) * sc(F_IN)
    W0r = jax.random.normal(ks[4], (F_IN, H), dtype=jnp.float32) * sc(F_IN)
    W0e = jax.random.normal(ks[5], (D_E, H), dtype=jnp.float32) * sc(D_E)
    a0 = jax.random.normal(ks[6], (H,), dtype=jnp.float32) * sc(H)
    b0 = jnp.zeros((H,), dtype=jnp.float32)
    Wls = jax.random.normal(ks[7], (5, H, H), dtype=jnp.float32) * sc(H)
    Wrs = jax.random.normal(ks[8], (5, H, H), dtype=jnp.float32) * sc(H)
    Wes = jax.random.normal(ks[9], (5, D_E, H), dtype=jnp.float32) * sc(D_E)
    atts = jax.random.normal(ks[10], (5, H), dtype=jnp.float32) * sc(H)
    biases = jnp.zeros((5, H), dtype=jnp.float32)
    kan_base = jax.random.normal(ks[11], (3, H, H), dtype=jnp.float32) * sc(H)
    kan_spline = jax.random.normal(ks[12], (3, H, H, GS + SO), dtype=jnp.float32) * (0.1 * sc(H))
    kan_base_last = jax.random.normal(ks[13], (KAN_OUT, H), dtype=jnp.float32) * sc(H)
    kan_spline_last = jax.random.normal(ks[14], (KAN_OUT, H, GS + SO), dtype=jnp.float32) * (0.1 * sc(H))
    return {"x": x, "edge_attr": edge_attr, "W0l": W0l, "W0r": W0r, "W0e": W0e, "a0": a0, "b0": b0, "Wls": Wls, "Wrs": Wrs, "Wes": Wes, "atts": atts, "biases": biases, "kan_base": kan_base, "kan_spline": kan_spline, "kan_base_last": kan_base_last, "kan_spline_last": kan_spline_last, "edge_index": edge_index}


def reference(x, edge_attr, W0l, W0r, W0e, a0, b0, Wls, Wrs, Wes, atts, biases, kan_base, kan_spline, kan_base_last, kan_spline_last, edge_index):
    src, dst = edge_index[0], edge_index[1]
    h = gatv2(x, src, dst, edge_attr, W0l, W0r, W0e, a0, b0)
    h = jax.nn.leaky_relu(h, 0.01)
    for i in range(4):
        res = h
        h = gatv2(h, src, dst, edge_attr, Wls[i], Wrs[i], Wes[i], atts[i], biases[i])
        h = jax.nn.leaky_relu(h, 0.01)
        h = h + res
    h = gatv2(h, src, dst, edge_attr, Wls[4], Wrs[4], Wes[4], atts[4], biases[4])
    grid = make_grid(H)
    for i in range(3):
        h = kan_linear(h, kan_base[i], kan_spline[i], grid)
    return kan_linear(h, kan_base_last, kan_spline_last, grid)

if __name__ == "__main__":
    import jax
    _d = setup_inputs()
    print(jax.jit(kernel)(*tuple(_d.values())))

</pallas_src>

<mosaic_0001>
#map = affine_map<(d0, d1) -> (0)>
#map1 = affine_map<(d0, d1) -> (0, 0)>
module attributes {stable_mosaic.version = 14 : i64} {
  func.func @_partition_body(%arg0: i32, %arg1: i32, %arg2: memref<320000xi32, #tpu.memory_space<hbm>>, %arg3: memref<320000xi32, #tpu.memory_space<hbm>>, %arg4: memref<320000xf32, #tpu.memory_space<hbm>>, %arg5: memref<320000xf32, #tpu.memory_space<hbm>>, %arg6: memref<320000xf32, #tpu.memory_space<hbm>>, %arg7: memref<320000xf32, #tpu.memory_space<hbm>>, %arg8: memref<32x12288xi32, #tpu.memory_space<hbm>>, %arg9: memref<32x12288xi32, #tpu.memory_space<hbm>>, %arg10: memref<32x12288xf32, #tpu.memory_space<hbm>>, %arg11: memref<32x12288xf32, #tpu.memory_space<hbm>>, %arg12: memref<32x12288xf32, #tpu.memory_space<hbm>>, %arg13: memref<32x12288xf32, #tpu.memory_space<hbm>>, %arg14: memref<32x16xi32, #tpu.memory_space<hbm>>, %arg15: memref<12288xi32, #tpu.memory_space<vmem>>, %arg16: memref<12288xi32, #tpu.memory_space<vmem>>, %arg17: memref<12288xf32, #tpu.memory_space<vmem>>, %arg18: memref<12288xf32, #tpu.memory_space<vmem>>, %arg19: memref<12288xf32, #tpu.memory_space<vmem>>, %arg20: memref<12288xf32, #tpu.memory_space<vmem>>, %arg21: memref<2000xi32, #tpu.memory_space<vmem>>, %arg22: memref<2000xi32, #tpu.memory_space<vmem>>, %arg23: memref<2000xf32, #tpu.memory_space<vmem>>, %arg24: memref<2000xf32, #tpu.memory_space<vmem>>, %arg25: memref<2000xf32, #tpu.memory_space<vmem>>, %arg26: memref<2000xf32, #tpu.memory_space<vmem>>, %arg27: memref<16xi32, #tpu.memory_space<vmem>>) attributes {dimension_semantics = [#tpu.dimension_semantics<core_parallel>, #tpu.dimension_semantics<subcore_parallel>], iteration_bounds = array<i64: 2, 16>, scalar_prefetch = 0 : i64, scratch_operands = 13 : i64, tpu.core_type = #tpu.core_type<sc_vector_subcore>, window_params = [{transform_indices = #map}, {transform_indices = #map}, {transform_indices = #map}, {transform_indices = #map}, {transform_indices = #map}, {transform_indices = #map}, {transform_indices = #map1}, {transform_indices = #map1}, {transform_indices = #map1}, {transform_indices = #map1}, {transform_indices = #map1}, {transform_indices = #map1}, {transform_indices = #map1}]} {
    %mul3A = arith.constant 2 : i32
    %mul3A_0 = arith.muli %arg1, %mul3A : i32
    %add3A = arith.addi %mul3A_0, %arg0 : i32
    %mul3A_1 = arith.constant 320 : i32
    %mul3A_2 = arith.muli %add3A, %mul3A_1 : i32
    %scan3A = arith.constant 0 : i32
    %scan3A_3 = arith.constant 0 : i32
    %scan3A_4 = arith.constant 160 : i32
    %scan3A_5 = arith.addi %scan3A_3, %scan3A_4 : i32
    %scan3A_6 = arith.constant 1 : i32
    %scan3A_7 = scf.for %scan3A_151 = %scan3A_3 to %scan3A_5 step %scan3A_6 iter_args(%scan3A_152 = %scan3A) -> (i32)  : i32 {
      %mul3A_153 = arith.constant 2000 : i32
      %mul3A_154 = arith.muli %scan3A_151, %mul3A_153 : i32
      "tpu.region"() ({
        %run_scoped3A = tpu.sem_alloc : memref<!tpu.dma_semaphore, #tpu.memory_space<semaphore_mem>>
        %dma_start3A = tpu.memref_slice %arg2[%mul3A_154] : memref<320000xi32, #tpu.memory_space<hbm>> -> memref<2000xi32, #tpu.memory_space<hbm>>
        %dma_start3A_161 = tpu.memref_slice %arg2[%mul3A_154] : memref<320000xi32, #tpu.memory_space<hbm>> -> memref<2000xi32, #tpu.memory_space<hbm>>
        tpu.enqueue_dma source(%dma_start3A_161 : memref<2000xi32, #tpu.memory_space<hbm>>) target(%arg21 : memref<2000xi32, #tpu.memory_space<vmem>>) target_semaphore(%run_scoped3A : memref<!tpu.dma_semaphore, #tpu.memory_space<semaphore_mem>>)
        %dma_wait3A = tpu.memref_slice %arg2[%mul3A_154] : memref<320000xi32, #tpu.memory_space<hbm>> -> memref<2000xi32, #tpu.memory_space<hbm>>
        %dma_wait3A_162 = tpu.memref_slice %arg2[%mul3A_154] : memref<320000xi32, #tpu.memory_space<hbm>> -> memref<2000xi32, #tpu.memory_space<hbm>>
        tpu.wait_dma2 semaphore(%run_scoped3A : memref<!tpu.dma_semaphore, #tpu.memory_space<semaphore_mem>>) src(%dma_wait3A_162 : memref<2000xi32, #tpu.memory_space<hbm>>) dst(%arg21 : memref<2000xi32, #tpu.memory_space<vmem>>)
        tpu.yield
      }) : () -> ()
      "tpu.region"() ({
        %run_scoped3A = tpu.sem_alloc : memref<!tpu.dma_semaphore, #tpu.memory_space<semaphore_mem>>
        %dma_start3A = tpu.memref_slice %arg3[%mul3A_154] : memref<320000xi32, #tpu.memory_space<hbm>> -> memref<2000xi32, #tpu.memory_space<hbm>>
        %dma_start3A_161 = tpu.memref_slice %arg3[%mul3A_154] : memref<320000xi32, #tpu.memory_space<hbm>> -> memref<2000xi32, #tpu.memory_space<hbm>>
        tpu.enqueue_dma source(%dma_start3A_161 : memref<2000xi32, #tpu.memory_space<hbm>>) target(%arg22 : memref<2000xi32, #tpu.memory_space<vmem>>) target_semaphore(%run_scoped3A : memref<!tpu.dma_semaphore, #tpu.memory_space<semaphore_mem>>)
        %dma_wait3A = tpu.memref_slice %arg3[%mul3A_154] : memref<320000xi32, #tpu.memory_space<hbm>> -> memref<2000xi32, #tpu.memory_space<hbm>>
        %dma_wait3A_162 = tpu.memref_slice %arg3[%mul3A_154] : memref<320000xi32, #tpu.memory_space<hbm>> -> memref<2000xi32, #tpu.memory_space<hbm>>
        tpu.wait_dma2 semaphore(%run_scoped3A : memref<!tpu.dma_semaphore, #tpu.memory_space<semaphore_mem>>) src(%dma_wait3A_162 : memref<2000xi32, #tpu.memory_space<hbm>>) dst(%arg22 : memref<2000xi32, #tpu.memory_space<vmem>>)
        tpu.yield
      }) : () -> ()
      "tpu.region"() ({
        %run_scoped3A = tpu.sem_alloc : memref<!tpu.dma_semaphore, #tpu.memory_space<semaphore_mem>>
        %dma_start3A = tpu.memref_slice %arg4[%mul3A_154] : memref<320000xf32, #tpu.memory_space<hbm>> -> memref<2000xf32, #tpu.memory_space<hbm>>
        %dma_start3A_161 = tpu.memref_slice %arg4[%mul3A_154] : memref<320000xf32, #tpu.memory_space<hbm>> -> memref<2000xf32, #tpu.memory_space<hbm>>
        tpu.enqueue_dma source(%dma_start3A_161 : memref<2000xf32, #tpu.memory_space<hbm>>) target(%arg23 : memref<2000xf32, #tpu.memory_space<vmem>>) target_semaphore(%run_scoped3A : memref<!tpu.dma_semaphore, #tpu.memory_space<semaphore_mem>>)
        %dma_wait3A = tpu.memref_slice %arg4[%mul3A_154] : memref<320000xf32, #tpu.memory_space<hbm>> -> memref<2000xf32, #tpu.memory_space<hbm>>
        %dma_wait3A_162 = tpu.memref_slice %arg4[%mul3A_154] : memref<320000xf32, #tpu.memory_space<hbm>> -> memref<2000xf32, #tpu.memory_space<hbm>>
        tpu.wait_dma2 semaphore(%run_scoped3A : memref<!tpu.dma_semaphore, #tpu.memory_space<semaphore_mem>>) src(%dma_wait3A_162 : memref<2000xf32, #tpu.memory_space<hbm>>) dst(%arg23 : memref<2000xf32, #tpu.memory_space<vmem>>)
        tpu.yield
      }) : () -> ()
      "tpu.region"() ({
        %run_scoped3A = tpu.sem_alloc : memref<!tpu.dma_semaphore, #tpu.memory_space<semaphore_mem>>
        %dma_start3A = tpu.memref_slice %arg5[%mul3A_154] : memref<320000xf32, #tpu.memory_space<hbm>> -> memref<2000xf32, #tpu.memory_space<hbm>>
        %dma_start3A_161 = tpu.memref_slice %arg5[%mul3A_154] : memref<320000xf32, #tpu.memory_space<hbm>> -> memref<2000xf32, #tpu.memory_space<hbm>>
        tpu.enqueue_dma source(%dma_start3A_161 : memref<2000xf32, #tpu.memory_space<hbm>>) target(%arg24 : memref<2000xf32, #tpu.memory_space<vmem>>) target_semaphore(%run_scoped3A : memref<!tpu.dma_semaphore, #tpu.memory_space<semaphore_mem>>)
        %dma_wait3A = tpu.memref_slice %arg5[%mul3A_154] : memref<320000xf32, #tpu.memory_space<hbm>> -> memref<2000xf32, #tpu.memory_space<hbm>>
        %dma_wait3A_162 = tpu.memref_slice %arg5[%mul3A_154] : memref<320000xf32, #tpu.memory_space<hbm>> -> memref<2000xf32, #tpu.memory_space<hbm>>
        tpu.wait_dma2 semaphore(%run_scoped3A : memref<!tpu.dma_semaphore, #tpu.memory_space<semaphore_mem>>) src(%dma_wait3A_162 : memref<2000xf32, #tpu.memory_space<hbm>>) dst(%arg24 : memref<2000xf32, #tpu.memory_space<vmem>>)
        tpu.yield
      }) : () -> ()
      "tpu.region"() ({
        %run_scoped3A = tpu.sem_alloc : memref<!tpu.dma_semaphore, #tpu.memory_space<semaphore_mem>>
        %dma_start3A = tpu.memref_slice %arg6[%mul3A_154] : memref<320000xf32, #tpu.memory_space<hbm>> -> memref<2000xf32, #tpu.memory_space<hbm>>
        %dma_start3A_161 = tpu.memref_slice %arg6[%mul3A_154] : memref<320000xf32, #tpu.memory_space<hbm>> -> memref<2000xf32, #tpu.memory_space<hbm>>
        tpu.enqueue_dma source(%dma_start3A_161 : memref<2000xf32, #tpu.memory_space<hbm>>) target(%arg25 : memref<2000xf32, #tpu.memory_space<vmem>>) target_semaphore(%run_scoped3A : memref<!tpu.dma_semaphore, #tpu.memory_space<semaphore_mem>>)
        %dma_wait3A = tpu.memref_slice %arg6[%mul3A_154] : memref<320000xf32, #tpu.memory_space<hbm>> -> memref<2000xf32, #tpu.memory_space<hbm>>
        %dma_wait3A_162 = tpu.memref_slice %arg6[%mul3A_154] : memref<320000xf32, #tpu.memory_space<hbm>> -> memref<2000xf32, #tpu.memory_space<hbm>>
        tpu.wait_dma2 semaphore(%run_scoped3A : memref<!tpu.dma_semaphore, #tpu.memory_space<semaphore_mem>>) src(%dma_wait3A_162 : memref<2000xf32, #tpu.memory_space<hbm>>) dst(%arg25 : memref<2000xf32, #tpu.memory_space<vmem>>)
        tpu.yield
      }) : () -> ()
      "tpu.region"() ({
        %run_scoped3A = tpu.sem_alloc : memref<!tpu.dma_semaphore, #tpu.memory_space<semaphore_mem>>
        %dma_start3A = tpu.memref_slice %arg7[%mul3A_154] : memref<320000xf32, #tpu.memory_space<hbm>> -> memref<2000xf32, #tpu.memory_space<hbm>>
        %dma_start3A_161 = tpu.memref_slice %arg7[%mul3A_154] : memref<320000xf32, #tpu.memory_space<hbm>> -> memref<2000xf32, #tpu.memory_space<hbm>>
        tpu.enqueue_dma source(%dma_start3A_161 : memref<2000xf32, #tpu.memory_space<hbm>>) target(%arg26 : memref<2000xf32, #tpu.memory_space<vmem>>) target_semaphore(%run_scoped3A : memref<!tpu.dma_semaphore, #tpu.memory_space<semaphore_mem>>)
        %dma_wait3A = tpu.memref_slice %arg7[%mul3A_154] : memref<320000xf32, #tpu.memory_space<hbm>> -> memref<2000xf32, #tpu.memory_space<hbm>>
        %dma_wait3A_162 = tpu.memref_slice %arg7[%mul3A_154] : memref<320000xf32, #tpu.memory_space<hbm>> -> memref<2000xf32, #tpu.memory_space<hbm>>
        tpu.wait_dma2 semaphore(%run_scoped3A : memref<!tpu.dma_semaphore, #tpu.memory_space<semaphore_mem>>) src(%dma_wait3A_162 : memref<2000xf32, #tpu.memory_space<hbm>>) dst(%arg26 : memref<2000xf32, #tpu.memory_space<vmem>>)
        tpu.yield
      }) : () -> ()
      %scan3A_155 = arith.constant 0 : i32
      %scan3A_156 = arith.constant 125 : i32
      %scan3A_157 = arith.addi %scan3A_155, %scan3A_156 : i32
      %scan3A_158 = arith.constant 1 : i32
      %scan3A_159 = scf.for %scan3A_161 = %scan3A_155 to %scan3A_157 step %scan3A_158 iter_args(%scan3A_162 = %scan3A_152) -> (i32)  : i32 {
        %mul3A_163 = arith.constant 16 : i32
        %mul3A_164 = arith.muli %scan3A_161, %mul3A_163 : i32
        %get3A = arith.index_cast %mul3A_164 : i32 to index
        %get3A_165 = tpu.vector_load %arg22[%get3A] {strides = array<i32>} : memref<2000xi32, #tpu.memory_space<vmem>>, vector<16xi32>,
        %ge3A = vector.broadcast %mul3A_2 : i32 to vector<16xi32>
        %ge3A_166 = arith.cmpi sge, %get3A_165, %ge3A : vector<16xi32>
        %add3A_167 = arith.constant 320 : i32
        %add3A_168 = arith.addi %mul3A_2, %add3A_167 : i32
        %lt3A = vector.broadcast %add3A_168 : i32 to vector<16xi32>
        %lt3A_169 = arith.cmpi slt, %get3A_165, %lt3A : vector<16xi32>
        %and3A_170 = arith.andi %ge3A_166, %lt3A_169 : vector<16xi1>
        %convert_element_type3A = arith.extui %and3A_170 : vector<16xi1> to vector<16xi32>
        %broadcast_in_dim3A_171 = arith.constant true
        %broadcast_in_dim3A_172 = vector.broadcast %broadcast_in_dim3A_171 : i1 to vector<16xi1>
        %masked_cumsum3A = tpu.scan <sum>, %convert_element_type3A masked %broadcast_in_dim3A_172 : vector<16xi32>, vector<16xi1> -> vector<16xi32>
        %add3A_173 = vector.broadcast %scan3A_162 : i32 to vector<16xi32>
        %add3A_174 = arith.addi %add3A_173, %masked_cumsum3A : vector<16xi32>
        %sub3A_175 = arith.constant 1 : i32
        %sub3A_176 = vector.broadcast %sub3A_175 : i32 to vector<16xi32>
        %sub3A_177 = arith.subi %add3A_174, %sub3A_176 : vector<16xi32>
        %get3A_178 = arith.index_cast %mul3A_164 : i32 to index
        %get3A_179 = tpu.vector_load %arg21[%get3A_178] {strides = array<i32>} : memref<2000xi32, #tpu.memory_space<vmem>>, vector<16xi32>,
        tpu.vector_store_idx %arg15[%sub3A_177], %get3A_179 masked %and3A_170 : memref<12288xi32, #tpu.memory_space<vmem>>[vector<16xi32>], vector<16xi32>, vector<16xi1>
        tpu.vector_store_idx %arg16[%sub3A_177], %get3A_165 masked %and3A_170 : memref<12288xi32, #tpu.memory_space<vmem>>[vector<16xi32>], vector<16xi32>, vector<16xi1>
        %get3A_180 = arith.index_cast %mul3A_164 : i32 to index
        %get3A_181 = tpu.vector_load %arg23[%get3A_180] {strides = array<i32>} : memref<2000xf32, #tpu.memory_space<vmem>>, vector<16xf32>,
        tpu.vector_store_idx %arg17[%sub3A_177], %get3A_181 masked %and3A_170 : memref<12288xf32, #tpu.memory_space<vmem>>[vector<16xi32>], vector<16xf32>, vector<16xi1>
        %get3A_182 = arith.index_cast %mul3A_164 : i32 to index
        %get3A_183 = tpu.vector_load %arg24[%get3A_182] {strides = array<i32>} : memref<2000xf32, #tpu.memory_space<vmem>>, vector<16xf32>,
        tpu.vector_store_idx %arg18[%sub3A_177], %get3A_183 masked %and3A_170 : memref<12288xf32, #tpu.memory_space<vmem>>[vector<16xi32>], vector<16xf32>, vector<16xi1>
        %get3A_184 = arith.index_cast %mul3A_164 : i32 to index
        %get3A_185 = tpu.vector_load %arg25[%get3A_184] {strides = array<i32>} : memref<2000xf32, #tpu.memory_space<vmem>>, vector<16xf32>,
        tpu.vector_store_idx %arg19[%sub3A_177], %get3A_185 masked %and3A_170 : memref<12288xf32, #tpu.memory_space<vmem>>[vector<16xi32>], vector<16xf32>, vector<16xi1>
        %get3A_186 = arith.index_cast %mul3A_164 : i32 to index
        %get3A_187 = tpu.vector_load %arg26[%get3A_186] {strides = array<i32>} : memref<2000xf32, #tpu.memory_space<vmem>>, vector<16xf32>,
        tpu.vector_store_idx %arg20[%sub3A_177], %get3A_187 masked %and3A_170 : memref<12288xf32, #tpu.memory_space<vmem>>[vector<16xi32>], vector<16xf32>, vector<16xi1>
        %reduce_sum3A = arith.constant true
        %reduce_sum3A_188 = vector.broadcast %reduce_sum3A : i1 to vector<16xi1>
        %reduce_sum3A_189 = tpu.scan <sum>, %convert_element_type3A masked %reduce_sum3A_188 : vector<16xi32>, vector<16xi1> -> vector<16xi32>
        %reduce_sum3A_190 = vector.extract %reduce_sum3A_189[15] : i32 from vector<16xi32>
        %add3A_191 = arith.addi %scan3A_162, %reduce_sum3A_190 : i32
        scf.yield %add3A_191 : i32
      }
      %scan3A_160 = arith.constant 125 : i32
      scf.yield %scan3A_159 : i32
    }
    %scan3A_8 = arith.constant 160 : i32
    %broadcast_in_dim3A = arith.constant 0 : i32
    %broadcast_in_dim3A_9 = vector.broadcast %broadcast_in_dim3A : i32 to vector<16xi32>
    %broadcast_in_dim3A_10 = arith.constant 0.000000e+00 : f32
    %broadcast_in_dim3A_11 = vector.broadcast %broadcast_in_dim3A_10 : f32 to vector<16xf32>
    %add3A_12 = arith.constant 320 : i32
    %add3A_13 = arith.addi %mul3A_2, %add3A_12 : i32
    %broadcast_in_dim3A_14 = vector.broadcast %add3A_13 : i32 to vector<16xi32>
    %add3A_15 = arith.constant 0 : i32
    %add3A_16 = arith.addi %scan3A_7, %add3A_15 : i32
    %swap3A = arith.index_cast %add3A_16 : i32 to index
    %swap3A_17 = tpu.vector_load %arg15[%swap3A] {strides = array<i32>} : memref<12288xi32, #tpu.memory_space<vmem>>, vector<16xi32>,
    tpu.vector_store %arg15[%swap3A], %broadcast_in_dim3A_9 {strides = array<i32>} : memref<12288xi32, #tpu.memory_space<vmem>>, vector<16xi32>,
    %swap3A_18 = arith.index_cast %add3A_16 : i32 to index
    %swap3A_19 = tpu.vector_load %arg16[%swap3A_18] {strides = array<i32>} : memref<12288xi32, #tpu.memory_space<vmem>>, vector<16xi32>,
    tpu.vector_store %arg16[%swap3A_18], %broadcast_in_dim3A_14 {strides = array<i32>} : memref<12288xi32, #tpu.memory_space<vmem>>, vector<16xi32>,
    %swap3A_20 = arith.index_cast %add3A_16 : i32 to index
    %swap3A_21 = tpu.vector_load %arg17[%swap3A_20] {strides = array<i32>} : memref<12288xf32, #tpu.memory_space<vmem>>, vector<16xf32>,
    tpu.vector_store %arg17[%swap3A_20], %broadcast_in_dim3A_11 {strides = array<i32>} : memref<12288xf32, #tpu.memory_space<vmem>>, vector<16xf32>,
    %swap3A_22 = arith.index_cast %add3A_16 : i32 to index
    %swap3A_23 = tpu.vector_load %arg18[%swap3A_22] {strides = array<i32>} : memref<12288xf32, #tpu.memory_space<vmem>>, vector<16xf32>,
    tpu.vector_store %arg18[%swap3A_22], %broadcast_in_dim3A_11 {strides = array<i32>} : memref<12288xf32, #tpu.memory_space<vmem>>, vector<16xf32>,
    %swap3A_24 = arith.index_cast %add3A_16 : i32 to index
    %swap3A_25 = tpu.vector_load %arg19[%swap3A_24] {strides = array<i32>} : memref<12288xf32, #tpu.memory_space<vmem>>, vector<16xf32>,
    tpu.vector_store %arg19[%swap3A_24], %broadcast_in_dim3A_11 {strides = array<i32>} : memref<12288xf32, #tpu.memory_space<vmem>>, vector<16xf32>,
    %swap3A_26 = arith.index_cast %add3A_16 : i32 to index
    %swap3A_27 = tpu.vector_load %arg20[%swap3A_26] {strides = array<i32>} : memref<12288xf32, #tpu.memory_space<vmem>>, vector<16xf32>,
    tpu.vector_store %arg20[%swap3A_26], %broadcast_in_dim3A_11 {strides = array<i32>} : memref<12288xf32, #tpu.memory_space<vmem>>, vector<16xf32>,
    %add3A_28 = arith.constant 16 : i32
    %add3A_29 = arith.addi %scan3A_7, %add3A_28 : i32
    %swap3A_30 = arith.index_cast %add3A_29 : i32 to index
    %swap3A_31 = tpu.vector_load %arg15[%swap3A_30] {strides = array<i32>} : memref<12288xi32, #tpu.memory_space<vmem>>, vector<16xi32>,
    tpu.vector_store %arg15[%swap3A_30], %broadcast_in_dim3A_9 {strides = array<i32>} : memref<12288xi32, #tpu.memory_space<vmem>>, vector<16xi32>,
    %swap3A_32 = arith.index_cast %add3A_29 : i32 to index
    %swap3A_33 = tpu.vector_load %arg16[%swap3A_32] {strides = array<i32>} : memref<12288xi32, #tpu.memory_space<vmem>>, vector<16xi32>,
    tpu.vector_store %arg16[%swap3A_32], %broadcast_in_dim3A_14 {strides = array<i32>} : memref<12288xi32, #tpu.memory_space<vmem>>, vector<16xi32>,
    %swap3A_34 = arith.index_cast %add3A_29 : i32 to index
    %swap3A_35 = tpu.vector_load %arg17[%swap3A_34] {strides = array<i32>} : memref<12288xf32, #tpu.memory_space<vmem>>, vector<16xf32>,
    tpu.vector_store %arg17[%swap3A_34], %broadcast_in_dim3A_11 {strides = array<i32>} : memref<12288xf32, #tpu.memory_space<vmem>>, vector<16xf32>,
    %swap3A_36 = arith.index_cast %add3A_29 : i32 to index
    %swap3A_37 = tpu.vector_load %arg18[%swap3A_36] {strides = array<i32>} : memref<12288xf32, #tpu.memory_space<vmem>>, vector<16xf32>,
    tpu.vector_store %arg18[%swap3A_36], %broadcast_in_dim3A_11 {strides = array<i32>} : memref<12288xf32, #tpu.memory_space<vmem>>, vector<16xf32>,
    %swap3A_38 = arith.index_cast %add3A_29 : i32 to index
    %swap3A_39 = tpu.vector_load %arg19[%swap3A_38] {strides = array<i32>} : memref<12288xf32, #tpu.memory_space<vmem>>, vector<16xf32>,
    tpu.vector_store %arg19[%swap3A_38], %broadcast_in_dim3A_11 {strides = array<i32>} : memref<12288xf32, #tpu.memory_space<vmem>>, vector<16xf32>,
    %swap3A_40 = arith.index_cast %add3A_29 : i32 to index
    %swap3A_41 = tpu.vector_load %arg20[%swap3A_40] {strides = array<i32>} : memref<12288xf32, #tpu.memory_space<vmem>>, vector<16xf32>,
    tpu.vector_store %arg20[%swap3A_40], %broadcast_in_dim3A_11 {strides = array<i32>} : memref<12288xf32, #tpu.memory_space<vmem>>, vector<16xf32>,
    %add3A_42 = arith.constant 32 : i32
    %add3A_43 = arith.addi %scan3A_7, %add3A_42 : i32
    %swap3A_44 = arith.index_cast %add3A_43 : i32 to index
    %swap3A_45 = tpu.vector_load %arg15[%swap3A_44] {strides = array<i32>} : memref<12288xi32, #tpu.memory_space<vmem>>, vector<16xi32>,
    tpu.vector_store %arg15[%swap3A_44], %broadcast_in_dim3A_9 {strides = array<i32>} : memref<12288xi32, #tpu.memory_space<vmem>>, vector<16xi32>,
    %swap3A_46 = arith.index_cast %add3A_43 : i32 to index
    %swap3A_47 = tpu.vector_load %arg16[%swap3A_46] {strides = array<i32>} : memref<12288xi32, #tpu.memory_space<vmem>>, vector<16xi32>,
    tpu.vector_store %arg16[%swap3A_46], %broadcast_in_dim3A_14 {strides = array<i32>} : memref<12288xi32, #tpu.memory_space<vmem>>, vector<16xi32>,
    %swap3A_48 = arith.index_cast %add3A_43 : i32 to index
    %swap3A_49 = tpu.vector_load %arg17[%swap3A_48] {strides = array<i32>} : memref<12288xf32, #tpu.memory_space<vmem>>, vector<16xf32>,
    tpu.vector_store %arg17[%swap3A_48], %broadcast_in_dim3A_11 {strides = array<i32>} : memref<12288xf32, #tpu.memory_space<vmem>>, vector<16xf32>,
    %swap3A_50 = arith.index_cast %add3A_43 : i32 to index
    %swap3A_51 = tpu.vector_load %arg18[%swap3A_50] {strides = array<i32>} : memref<12288xf32, #tpu.memory_space<vmem>>, vector<16xf32>,
    tpu.vector_store %arg18[%swap3A_50], %broadcast_in_dim3A_11 {strides = array<i32>} : memref<12288xf32, #tpu.memory_space<vmem>>, vector<16xf32>,
    %swap3A_52 = arith.index_cast %add3A_43 : i32 to index
    %swap3A_53 = tpu.vector_load %arg19[%swap3A_52] {strides = array<i32>} : memref<12288xf32, #tpu.memory_space<vmem>>, vector<16xf32>,
    tpu.vector_store %arg19[%swap3A_52], %broadcast_in_dim3A_11 {strides = array<i32>} : memref<12288xf32, #tpu.memory_space<vmem>>, vector<16xf32>,
    %swap3A_54 = arith.index_cast %add3A_43 : i32 to index
    %swap3A_55 = tpu.vector_load %arg20[%swap3A_54] {strides = array<i32>} : memref<12288xf32, #tpu.memory_space<vmem>>, vector<16xf32>,
    tpu.vector_store %arg20[%swap3A_54], %broadcast_in_dim3A_11 {strides = array<i32>} : memref<12288xf32, #tpu.memory_space<vmem>>, vector<16xf32>,
    %add3A_56 = arith.constant 48 : i32
    %add3A_57 = arith.addi %scan3A_7, %add3A_56 : i32
    %swap3A_58 = arith.index_cast %add3A_57 : i32 to index
    %swap3A_59 = tpu.vector_load %arg15[%swap3A_58] {strides = array<i32>} : memref<12288xi32, #tpu.memory_space<vmem>>, vector<16xi32>,
    tpu.vector_store %arg15[%swap3A_58], %broadcast_in_dim3A_9 {strides = array<i32>} : memref<12288xi32, #tpu.memory_space<vmem>>, vector<16xi32>,
    %swap3A_60 = arith.index_cast %add3A_57 : i32 to index
    %swap3A_61 = tpu.vector_load %arg16[%swap3A_60] {strides = array<i32>} : memref<12288xi32, #tpu.memory_space<vmem>>, vector<16xi32>,
    tpu.vector_store %arg16[%swap3A_60], %broadcast_in_dim3A_14 {strides = array<i32>} : memref<12288xi32, #tpu.memory_space<vmem>>, vector<16xi32>,
    %swap3A_62 = arith.index_cast %add3A_57 : i32 to index
    %swap3A_63 = tpu.vector_load %arg17[%swap3A_62] {strides = array<i32>} : memref<12288xf32, #tpu.memory_space<vmem>>, vector<16xf32>,
    tpu.vector_store %arg17[%swap3A_62], %broadcast_in_dim3A_11 {strides = array<i32>} : memref<12288xf32, #tpu.memory_space<vmem>>, vector<16xf32>,
    %swap3A_64 = arith.index_cast %add3A_57 : i32 to index
    %swap3A_65 = tpu.vector_load %arg18[%swap3A_64] {strides = array<i32>} : memref<12288xf32, #tpu.memory_space<vmem>>, vector<16xf32>,
    tpu.vector_store %arg18[%swap3A_64], %broadcast_in_dim3A_11 {strides = array<i32>} : memref<12288xf32, #tpu.memory_space<vmem>>, vector<16xf32>,
    %swap3A_66 = arith.index_cast %add3A_57 : i32 to index
    %swap3A_67 = tpu.vector_load %arg19[%swap3A_66] {strides = array<i32>} : memref<12288xf32, #tpu.memory_space<vmem>>, vector<16xf32>,
    tpu.vector_store %arg19[%swap3A_66], %broadcast_in_dim3A_11 {strides = array<i32>} : memref<12288xf32, #tpu.memory_space<vmem>>, vector<16xf32>,
    %swap3A_68 = arith.index_cast %add3A_57 : i32 to index
    %swap3A_69 = tpu.vector_load %arg20[%swap3A_68] {strides = array<i32>} : memref<12288xf32, #tpu.memory_space<vmem>>, vector<16xf32>,
    tpu.vector_store %arg20[%swap3A_68], %broadcast_in_dim3A_11 {strides = array<i32>} : memref<12288xf32, #tpu.memory_space<vmem>>, vector<16xf32>,
    %add3A_70 = arith.constant 64 : i32
    %add3A_71 = arith.addi %scan3A_7, %add3A_70 : i32
    %swap3A_72 = arith.index_cast %add3A_71 : i32 to index
    %swap3A_73 = tpu.vector_load %arg15[%swap3A_72] {strides = array<i32>} : memref<12288xi32, #tpu.memory_space<vmem>>, vector<16xi32>,
    tpu.vector_store %arg15[%swap3A_72], %broadcast_in_dim3A_9 {strides = array<i32>} : memref<12288xi32, #tpu.memory_space<vmem>>, vector<16xi32>,
    %swap3A_74 = arith.index_cast %add3A_71 : i32 to index
    %swap3A_75 = tpu.vector_load %arg16[%swap3A_74] {strides = array<i32>} : memref<12288xi32, #tpu.memory_space<vmem>>, vector<16xi32>,
    tpu.vector_store %arg16[%swap3A_74], %broadcast_in_dim3A_14 {strides = array<i32>} : memref<12288xi32, #tpu.memory_space<vmem>>, vector<16xi32>,
    %swap3A_76 = arith.index_cast %add3A_71 : i32 to index
    %swap3A_77 = tpu.vector_load %arg17[%swap3A_76] {strides = array<i32>} : memref<12288xf32, #tpu.memory_space<vmem>>, vector<16xf32>,
    tpu.vector_store %arg17[%swap3A_76], %broadcast_in_dim3A_11 {strides = array<i32>} : memref<12288xf32, #tpu.memory_space<vmem>>, vector<16xf32>,
    %swap3A_78 = arith.index_cast %add3A_71 : i32 to index
    %swap3A_79 = tpu.vector_load %arg18[%swap3A_78] {strides = array<i32>} : memref<12288xf32, #tpu.memory_space<vmem>>, vector<16xf32>,
    tpu.vector_store %arg18[%swap3A_78], %broadcast_in_dim3A_11 {strides = array<i32>} : memref<12288xf32, #tpu.memory_space<vmem>>, vector<16xf32>,
    %swap3A_80 = arith.index_cast %add3A_71 : i32 to index
    %swap3A_81 = tpu.vector_load %arg19[%swap3A_80] {strides = array<i32>} : memref<12288xf32, #tpu.memory_space<vmem>>, vector<16xf32>,
    tpu.vector_store %arg19[%swap3A_80], %broadcast_in_dim3A_11 {strides = array<i32>} : memref<12288xf32, #tpu.memory_space<vmem>>, vector<16xf32>,
    %swap3A_82 = arith.index_cast %add3A_71 : i32 to index
    %swap3A_83 = tpu.vector_load %arg20[%swap3A_82] {strides = array<i32>} : memref<12288xf32, #tpu.memory_space<vmem>>, vector<16xf32>,
    tpu.vector_store %arg20[%swap3A_82], %broadcast_in_dim3A_11 {strides = array<i32>} : memref<12288xf32, #tpu.memory_space<vmem>>, vector<16xf32>,
    %add3A_84 = arith.constant 80 : i32
    %add3A_85 = arith.addi %scan3A_7, %add3A_84 : i32
    %swap3A_86 = arith.index_cast %add3A_85 : i32 to index
    %swap3A_87 = tpu.vector_load %arg15[%swap3A_86] {strides = array<i32>} : memref<12288xi32, #tpu.memory_space<vmem>>, vector<16xi32>,
    tpu.vector_store %arg15[%swap3A_86], %broadcast_in_dim3A_9 {strides = array<i32>} : memref<12288xi32, #tpu.memory_space<vmem>>, vector<16xi32>,
    %swap3A_88 = arith.index_cast %add3A_85 : i32 to index
    %swap3A_89 = tpu.vector_load %arg16[%swap3A_88] {strides = array<i32>} : memref<12288xi32, #tpu.memory_space<vmem>>, vector<16xi32>,
    tpu.vector_store %arg16[%swap3A_88], %broadcast_in_dim3A_14 {strides = array<i32>} : memref<12288xi32, #tpu.memory_space<vmem>>, vector<16xi32>,
    %swap3A_90 = arith.index_cast %add3A_85 : i32 to index
    %swap3A_91 = tpu.vector_load %arg17[%swap3A_90] {strides = array<i32>} : memref<12288xf32, #tpu.memory_space<vmem>>, vector<16xf32>,
    tpu.vector_store %arg17[%swap3A_90], %broadcast_in_dim3A_11 {strides = array<i32>} : memref<12288xf32, #tpu.memory_space<vmem>>, vector<16xf32>,
    %swap3A_92 = arith.index_cast %add3A_85 : i32 to index
    %swap3A_93 = tpu.vector_load %arg18[%swap3A_92] {strides = array<i32>} : memref<12288xf32, #tpu.memory_space<vmem>>, vector<16xf32>,
    tpu.vector_store %arg18[%swap3A_92], %broadcast_in_dim3A_11 {strides = array<i32>} : memref<12288xf32, #tpu.memory_space<vmem>>, vector<16xf32>,
    %swap3A_94 = arith.index_cast %add3A_85 : i32 to index
    %swap3A_95 = tpu.vector_load %arg19[%swap3A_94] {strides = array<i32>} : memref<12288xf32, #tpu.memory_space<vmem>>, vector<16xf32>,
    tpu.vector_store %arg19[%swap3A_94], %broadcast_in_dim3A_11 {strides = array<i32>} : memref<12288xf32, #tpu.memory_space<vmem>>, vector<16xf32>,
    %swap3A_96 = arith.index_cast %add3A_85 : i32 to index
    %swap3A_97 = tpu.vector_load %arg20[%swap3A_96] {strides = array<i32>} : memref<12288xf32, #tpu.memory_space<vmem>>, vector<16xf32>,
    tpu.vector_store %arg20[%swap3A_96], %broadcast_in_dim3A_11 {strides = array<i32>} : memref<12288xf32, #tpu.memory_space<vmem>>, vector<16xf32>,
    %add3A_98 = arith.constant 96 : i32
    %add3A_99 = arith.addi %scan3A_7, %add3A_98 : i32
    %swap3A_100 = arith.index_cast %add3A_99 : i32 to index
    %swap3A_101 = tpu.vector_load %arg15[%swap3A_100] {strides = array<i32>} : memref<12288xi32, #tpu.memory_space<vmem>>, vector<16xi32>,
    tpu.vector_store %arg15[%swap3A_100], %broadcast_in_dim3A_9 {strides = array<i32>} : memref<12288xi32, #tpu.memory_space<vmem>>, vector<16xi32>,
    %swap3A_102 = arith.index_cast %add3A_99 : i32 to index
    %swap3A_103 = tpu.vector_load %arg16[%swap3A_102] {strides = array<i32>} : memref<12288xi32, #tpu.memory_space<vmem>>, vector<16xi32>,
    tpu.vector_store %arg16[%swap3A_102], %broadcast_in_dim3A_14 {strides = array<i32>} : memref<12288xi32, #tpu.memory_space<vmem>>, vector<16xi32>,
    %swap3A_104 = arith.index_cast %add3A_99 : i32 to index
    %swap3A_105 = tpu.vector_load %arg17[%swap3A_104] {strides = array<i32>} : memref<12288xf32, #tpu.memory_space<vmem>>, vector<16xf32>,
    tpu.vector_store %arg17[%swap3A_104], %broadcast_in_dim3A_11 {strides = array<i32>} : memref<12288xf32, #tpu.memory_space<vmem>>, vector<16xf32>,
    %swap3A_106 = arith.index_cast %add3A_99 : i32 to index
    %swap3A_107 = tpu.vector_load %arg18[%swap3A_106] {strides = array<i32>} : memref<12288xf32, #tpu.memory_space<vmem>>, vector<16xf32>,
    tpu.vector_store %arg18[%swap3A_106], %broadcast_in_dim3A_11 {strides = array<i32>} : memref<12288xf32, #tpu.memory_space<vmem>>, vector<16xf32>,
    %swap3A_108 = arith.index_cast %add3A_99 : i32 to index
    %swap3A_109 = tpu.vector_load %arg19[%swap3A_108] {strides = array<i32>} : memref<12288xf32, #tpu.memory_space<vmem>>, vector<16xf32>,
    tpu.vector_store %arg19[%swap3A_108], %broadcast_in_dim3A_11 {strides = array<i32>} : memref<12288xf32, #tpu.memory_space<vmem>>, vector<16xf32>,
    %swap3A_110 = arith.index_cast %add3A_99 : i32 to index
    %swap3A_111 = tpu.vector_load %arg20[%swap3A_110] {strides = array<i32>} : memref<12288xf32, #tpu.memory_space<vmem>>, vector<16xf32>,
    tpu.vector_store %arg20[%swap3A_110], %broadcast_in_dim3A_11 {strides = array<i32>} : memref<12288xf32, #tpu.memory_space<vmem>>, vector<16xf32>,
    %add3A_112 = arith.constant 112 : i32
    %add3A_113 = arith.addi %scan3A_7, %add3A_112 : i32
    %swap3A_114 = arith.index_cast %add3A_113 : i32 to index
    %swap3A_115 = tpu.vector_load %arg15[%swap3A_114] {strides = array<i32>} : memref<12288xi32, #tpu.memory_space<vmem>>, vector<16xi32>,
    tpu.vector_store %arg15[%swap3A_114], %broadcast_in_dim3A_9 {strides = array<i32>} : memref<12288xi32, #tpu.memory_space<vmem>>, vector<16xi32>,
    %swap3A_116 = arith.index_cast %add3A_113 : i32 to index
    %swap3A_117 = tpu.vector_load %arg16[%swap3A_116] {strides = array<i32>} : memref<12288xi32, #tpu.memory_space<vmem>>, vector<16xi32>,
    tpu.vector_store %arg16[%swap3A_116], %broadcast_in_dim3A_14 {strides = array<i32>} : memref<12288xi32, #tpu.memory_space<vmem>>, vector<16xi32>,
    %swap3A_118 = arith.index_cast %add3A_113 : i32 to index
    %swap3A_119 = tpu.vector_load %arg17[%swap3A_118] {strides = array<i32>} : memref<12288xf32, #tpu.memory_space<vmem>>, vector<16xf32>,
    tpu.vector_store %arg17[%swap3A_118], %broadcast_in_dim3A_11 {strides = array<i32>} : memref<12288xf32, #tpu.memory_space<vmem>>, vector<16xf32>,
    %swap3A_120 = arith.index_cast %add3A_113 : i32 to index
    %swap3A_121 = tpu.vector_load %arg18[%swap3A_120] {strides = array<i32>} : memref<12288xf32, #tpu.memory_space<vmem>>, vector<16xf32>,
    tpu.vector_store %arg18[%swap3A_120], %broadcast_in_dim3A_11 {strides = array<i32>} : memref<12288xf32, #tpu.memory_space<vmem>>, vector<16xf32>,
    %swap3A_122 = arith.index_cast %add3A_113 : i32 to index
    %swap3A_123 = tpu.vector_load %arg19[%swap3A_122] {strides = array<i32>} : memref<12288xf32, #tpu.memory_space<vmem>>, vector<16xf32>,
    tpu.vector_store %arg19[%swap3A_122], %broadcast_in_dim3A_11 {strides = array<i32>} : memref<12288xf32, #tpu.memory_space<vmem>>, vector<16xf32>,
    %swap3A_124 = arith.index_cast %add3A_113 : i32 to index
    %swap3A_125 = tpu.vector_load %arg20[%swap3A_124] {strides = array<i32>} : memref<12288xf32, #tpu.memory_space<vmem>>, vector<16xf32>,
    tpu.vector_store %arg20[%swap3A_124], %broadcast_in_dim3A_11 {strides = array<i32>} : memref<12288xf32, #tpu.memory_space<vmem>>, vector<16xf32>,
    %add3A_126 = arith.constant 128 : i32
    %add3A_127 = arith.addi %scan3A_7, %add3A_126 : i32
    %sub3A = arith.constant 1 : i32
    %sub3A_128 = arith.subi %add3A_127, %sub3A : i32
    %jit3A = arith.constant 128 : i32
    %div3A = arith.divsi %sub3A_128, %jit3A : i32
    %sign3A = arith.constant 0 : i32
    %sign3A_129 = arith.cmpi sgt, %sub3A_128, %sign3A : i32
    %sign3A_130 = arith.extui %sign3A_129 : i1 to i32
    %sign3A_131 = arith.constant 0 : i32
    %sign3A_132 = arith.cmpi slt, %sub3A_128, %sign3A_131 : i32
    %sign3A_133 = arith.extui %sign3A_132 : i1 to i32
    %sign3A_134 = arith.subi %sign3A_130, %sign3A_133 : i32
    %sign3A_135 = arith.constant 0 : i32
    %sign3A_136 = arith.cmpi sgt, %jit3A, %sign3A_135 : i32
    %sign3A_137 = arith.extui %sign3A_136 : i1 to i32
    %sign3A_138 = arith.constant 0 : i32
    %sign3A_139 = arith.cmpi slt, %jit3A, %sign3A_138 : i32
    %sign3A_140 = arith.extui %sign3A_139 : i1 to i32
    %sign3A_141 = arith.subi %sign3A_137, %sign3A_140 : i32
    %ne3A = arith.cmpi ne, %sign3A_134, %sign3A_141 : i32
    %rem3A = arith.remsi %sub3A_128, %jit3A : i32
    %ne3A_142 = arith.constant 0 : i32
    %ne3A_143 = arith.cmpi ne, %rem3A, %ne3A_142 : i32
    %and3A = arith.andi %ne3A, %ne3A_143 : i1
    %sub3A_144 = arith.constant 1 : i32
    %sub3A_145 = arith.subi %div3A, %sub3A_144 : i32
    %select_n3A = arith.select %and3A, %sub3A_145, %div3A : i32
    %mul3A_146 = arith.constant 128 : i32
    %mul3A_147 = arith.muli %select_n3A, %mul3A_146 : i32
    "tpu.region"() ({
      %run_scoped3A = tpu.sem_alloc : memref<!tpu.dma_semaphore, #tpu.memory_space<semaphore_mem>>
      %dma_start3A = arith.constant 0 : i32
      %dma_start3A_151 = tpu.memref_slice %arg8[%add3A, %dma_start3A] : memref<32x12288xi32, #tpu.memory_space<hbm>> -> memref<1x12288xi32, #tpu.memory_space<hbm>>
      %dma_start3A_152 = tpu.memref_squeeze %dma_start3A_151 : memref<1x12288xi32, #tpu.memory_space<hbm>> -> memref<12288xi32, #tpu.memory_space<hbm>>
      %dma_start3A_153 = arith.constant 0 : i32
      %dma_start3A_154 = tpu.memref_slice %arg8[%add3A, %dma_start3A_153] : memref<32x12288xi32, #tpu.memory_space<hbm>> -> memref<1x12288xi32, #tpu.memory_space<hbm>>
      %dma_start3A_155 = tpu.memref_squeeze %dma_start3A_154 : memref<1x12288xi32, #tpu.memory_space<hbm>> -> memref<12288xi32, #tpu.memory_space<hbm>>
      tpu.enqueue_dma source(%arg15 : memref<12288xi32, #tpu.memory_space<vmem>>) target(%dma_start3A_155 : memref<12288xi32, #tpu.memory_space<hbm>>) target_semaphore(%run_scoped3A : memref<!tpu.dma_semaphore, #tpu.memory_space<semaphore_mem>>)
      %dma_wait3A = arith.constant 0 : i32
      %dma_wait3A_156 = tpu.memref_slice %arg8[%add3A, %dma_wait3A] : memref<32x12288xi32, #tpu.memory_space<hbm>> -> memref<1x12288xi32, #tpu.memory_space<hbm>>
      %dma_wait3A_157 = tpu.memref_squeeze %dma_wait3A_156 : memref<1x12288xi32, #tpu.memory_space<hbm>> -> memref<12288xi32, #tpu.memory_space<hbm>>
      %dma_wait3A_158 = arith.constant 0 : i32
      %dma_wait3A_159 = tpu.memref_slice %arg8[%add3A, %dma_wait3A_158] : memref<32x12288xi32, #tpu.memory_space<hbm>> -> memref<1x12288xi32, #tpu.memory_space<hbm>>
      %dma_wait3A_160 = tpu.memref_squeeze %dma_wait3A_159 : memref<1x12288xi32, #tpu.memory_space<hbm>> -> memref<12288xi32, #tpu.memory_space<hbm>>
      tpu.wait_dma2 semaphore(%run_scoped3A : memref<!tpu.dma_semaphore, #tpu.memory_space<semaphore_mem>>) src(%arg15 : memref<12288xi32, #tpu.memory_space<vmem>>) dst(%dma_wait3A_160 : memref<12288xi32, #tpu.memory_space<hbm>>)
      tpu.yield
    }) : () -> ()
    "tpu.region"() ({
      %run_scoped3A = tpu.sem_alloc : memref<!tpu.dma_semaphore, #tpu.memory_space<semaphore_mem>>
      %dma_start3A = arith.constant 0 : i32
      %dma_start3A_151 = tpu.memref_slice %arg9[%add3A, %dma_start3A] : memref<32x12288xi32, #tpu.memory_space<hbm>> -> memref<1x12288xi32, #tpu.memory_space<hbm>>
      %dma_start3A_152 = tpu.memref_squeeze %dma_start3A_151 : memref<1x12288xi32, #tpu.memory_space<hbm>> -> memref<12288xi32, #tpu.memory_space<hbm>>
      %dma_start3A_153 = arith.constant 0 : i32
      %dma_start3A_154 = tpu.memref_slice %arg9[%add3A, %dma_start3A_153] : memref<32x12288xi32, #tpu.memory_space<hbm>> -> memref<1x12288xi32, #tpu.memory_space<hbm>>
      %dma_start3A_155 = tpu.memref_squeeze %dma_start3A_154 : memref<1x12288xi32, #tpu.memory_space<hbm>> -> memref<12288xi32, #tpu.memory_space<hbm>>
      tpu.enqueue_dma source(%arg16 : memref<12288xi32, #tpu.memory_space<vmem>>) target(%dma_start3A_155 : memref<12288xi32, #tpu.memory_space<hbm>>) target_semaphore(%run_scoped3A : memref<!tpu.dma_semaphore, #tpu.memory_space<semaphore_mem>>)
      %dma_wait3A = arith.constant 0 : i32
      %dma_wait3A_156 = tpu.memref_slice %arg9[%add3A, %dma_wait3A] : memref<32x12288xi32, #tpu.memory_space<hbm>> -> memref<1x12288xi32, #tpu.memory_space<hbm>>
      %dma_wait3A_157 = tpu.memref_squeeze %dma_wait3A_156 : memref<1x12288xi32, #tpu.memory_space<hbm>> -> memref<12288xi32, #tpu.memory_space<hbm>>
      %dma_wait3A_158 = arith.constant 0 : i32
      %dma_wait3A_159 = tpu.memref_slice %arg9[%add3A, %dma_wait3A_158] : memref<32x12288xi32, #tpu.memory_space<hbm>> -> memref<1x12288xi32, #tpu.memory_space<hbm>>
      %dma_wait3A_160 = tpu.memref_squeeze %dma_wait3A_159 : memref<1x12288xi32, #tpu.memory_space<hbm>> -> memref<12288xi32, #tpu.memory_space<hbm>>
      tpu.wait_dma2 semaphore(%run_scoped3A : memref<!tpu.dma_semaphore, #tpu.memory_space<semaphore_mem>>) src(%arg16 : memref<12288xi32, #tpu.memory_space<vmem>>) dst(%dma_wait3A_160 : memref<12288xi32, #tpu.memory_space<hbm>>)
      tpu.yield
    }) : () -> ()
    "tpu.region"() ({
      %run_scoped3A = tpu.sem_alloc : memref<!tpu.dma_semaphore, #tpu.memory_space<semaphore_mem>>
      %dma_start3A = arith.constant 0 : i32
      %dma_start3A_151 = tpu.memref_slice %arg10[%add3A, %dma_start3A] : memref<32x12288xf32, #tpu.memory_space<hbm>> -> memref<1x12288xf32, #tpu.memory_space<hbm>>
      %dma_start3A_152 = tpu.memref_squeeze %dma_start3A_151 : memref<1x12288xf32, #tpu.memory_space<hbm>> -> memref<12288xf32, #tpu.memory_space<hbm>>
      %dma_start3A_153 = arith.constant 0 : i32
      %dma_start3A_154 = tpu.memref_slice %arg10[%add3A, %dma_start3A_153] : memref<32x12288xf32, #tpu.memory_space<hbm>> -> memref<1x12288xf32, #tpu.memory_space<hbm>>
      %dma_start3A_155 = tpu.memref_squeeze %dma_start3A_154 : memref<1x12288xf32, #tpu.memory_space<hbm>> -> memref<12288xf32, #tpu.memory_space<hbm>>
      tpu.enqueue_dma source(%arg17 : memref<12288xf32, #tpu.memory_space<vmem>>) target(%dma_start3A_155 : memref<12288xf32, #tpu.memory_space<hbm>>) target_semaphore(%run_scoped3A : memref<!tpu.dma_semaphore, #tpu.memory_space<semaphore_mem>>)
      %dma_wait3A = arith.constant 0 : i32
      %dma_wait3A_156 = tpu.memref_slice %arg10[%add3A, %dma_wait3A] : memref<32x12288xf32, #tpu.memory_space<hbm>> -> memref<1x12288xf32, #tpu.memory_space<hbm>>
      %dma_wait3A_157 = tpu.memref_squeeze %dma_wait3A_156 : memref<1x12288xf32, #tpu.memory_space<hbm>> -> memref<12288xf32, #tpu.memory_space<hbm>>
      %dma_wait3A_158 = arith.constant 0 : i32
      %dma_wait3A_159 = tpu.memref_slice %arg10[%add3A, %dma_wait3A_158] : memref<32x12288xf32, #tpu.memory_space<hbm>> -> memref<1x12288xf32, #tpu.memory_space<hbm>>
      %dma_wait3A_160 = tpu.memref_squeeze %dma_wait3A_159 : memref<1x12288xf32, #tpu.memory_space<hbm>> -> memref<12288xf32, #tpu.memory_space<hbm>>
      tpu.wait_dma2 semaphore(%run_scoped3A : memref<!tpu.dma_semaphore, #tpu.memory_space<semaphore_mem>>) src(%arg17 : memref<12288xf32, #tpu.memory_space<vmem>>) dst(%dma_wait3A_160 : memref<12288xf32, #tpu.memory_space<hbm>>)
      tpu.yield
    }) : () -> ()
    "tpu.region"() ({
      %run_scoped3A = tpu.sem_alloc : memref<!tpu.dma_semaphore, #tpu.memory_space<semaphore_mem>>
      %dma_start3A = arith.constant 0 : i32
      %dma_start3A_151 = tpu.memref_slice %arg11[%add3A, %dma_start3A] : memref<32x12288xf32, #tpu.memory_space<hbm>> -> memref<1x12288xf32, #tpu.memory_space<hbm>>
      %dma_start3A_152 = tpu.memref_squeeze %dma_start3A_151 : memref<1x12288xf32, #tpu.memory_space<hbm>> -> memref<12288xf32, #tpu.memory_space<hbm>>
      %dma_start3A_153 = arith.constant 0 : i32
      %dma_start3A_154 = tpu.memref_slice %arg11[%add3A, %dma_start3A_153] : memref<32x12288xf32, #tpu.memory_space<hbm>> -> memref<1x12288xf32, #tpu.memory_space<hbm>>
      %dma_start3A_155 = tpu.memref_squeeze %dma_start3A_154 : memref<1x12288xf32, #tpu.memory_space<hbm>> -> memref<12288xf32, #tpu.memory_space<hbm>>
      tpu.enqueue_dma source(%arg18 : memref<12288xf32, #tpu.memory_space<vmem>>) target(%dma_start3A_155 : memref<12288xf32, #tpu.memory_space<hbm>>) target_semaphore(%run_scoped3A : memref<!tpu.dma_semaphore, #tpu.memory_space<semaphore_mem>>)
      %dma_wait3A = arith.constant 0 : i32
      %dma_wait3A_156 = tpu.memref_slice %arg11[%add3A, %dma_wait3A] : memref<32x12288xf32, #tpu.memory_space<hbm>> -> memref<1x12288xf32, #tpu.memory_space<hbm>>
      %dma_wait3A_157 = tpu.memref_squeeze %dma_wait3A_156 : memref<1x12288xf32, #tpu.memory_space<hbm>> -> memref<12288xf32, #tpu.memory_space<hbm>>
      %dma_wait3A_158 = arith.constant 0 : i32
      %dma_wait3A_159 = tpu.memref_slice %arg11[%add3A, %dma_wait3A_158] : memref<32x12288xf32, #tpu.memory_space<hbm>> -> memref<1x12288xf32, #tpu.memory_space<hbm>>
      %dma_wait3A_160 = tpu.memref_squeeze %dma_wait3A_159 : memref<1x12288xf32, #tpu.memory_space<hbm>> -> memref<12288xf32, #tpu.memory_space<hbm>>
      tpu.wait_dma2 semaphore(%run_scoped3A : memref<!tpu.dma_semaphore, #tpu.memory_space<semaphore_mem>>) src(%arg18 : memref<12288xf32, #tpu.memory_space<vmem>>) dst(%dma_wait3A_160 : memref<12288xf32, #tpu.memory_space<hbm>>)
      tpu.yield
    }) : () -> ()
    "tpu.region"() ({
      %run_scoped3A = tpu.sem_alloc : memref<!tpu.dma_semaphore, #tpu.memory_space<semaphore_mem>>
      %dma_start3A = arith.constant 0 : i32
      %dma_start3A_151 = tpu.memref_slice %arg12[%add3A, %dma_start3A] : memref<32x12288xf32, #tpu.memory_space<hbm>> -> memref<1x12288xf32, #tpu.memory_space<hbm>>
      %dma_start3A_152 = tpu.memref_squeeze %dma_start3A_151 : memref<1x12288xf32, #tpu.memory_space<hbm>> -> memref<12288xf32, #tpu.memory_space<hbm>>
      %dma_start3A_153 = arith.constant 0 : i32
      %dma_start3A_154 = tpu.memref_slice %arg12[%add3A, %dma_start3A_153] : memref<32x12288xf32, #tpu.memory_space<hbm>> -> memref<1x12288xf32, #tpu.memory_space<hbm>>
      %dma_start3A_155 = tpu.memref_squeeze %dma_start3A_154 : memref<1x12288xf32, #tpu.memory_space<hbm>> -> memref<12288xf32, #tpu.memory_space<hbm>>
      tpu.enqueue_dma source(%arg19 : memref<12288xf32, #tpu.memory_space<vmem>>) target(%dma_start3A_155 : memref<12288xf32, #tpu.memory_space<hbm>>) target_semaphore(%run_scoped3A : memref<!tpu.dma_semaphore, #tpu.memory_space<semaphore_mem>>)
      %dma_wait3A = arith.constant 0 : i32
      %dma_wait3A_156 = tpu.memref_slice %arg12[%add3A, %dma_wait3A] : memref<32x12288xf32, #tpu.memory_space<hbm>> -> memref<1x12288xf32, #tpu.memory_space<hbm>>
      %dma_wait3A_157 = tpu.memref_squeeze %dma_wait3A_156 : memref<1x12288xf32, #tpu.memory_space<hbm>> -> memref<12288xf32, #tpu.memory_space<hbm>>
      %dma_wait3A_158 = arith.constant 0 : i32
      %dma_wait3A_159 = tpu.memref_slice %arg12[%add3A, %dma_wait3A_158] : memref<32x12288xf32, #tpu.memory_space<hbm>> -> memref<1x12288xf32, #tpu.memory_space<hbm>>
      %dma_wait3A_160 = tpu.memref_squeeze %dma_wait3A_159 : memref<1x12288xf32, #tpu.memory_space<hbm>> -> memref<12288xf32, #tpu.memory_space<hbm>>
      tpu.wait_dma2 semaphore(%run_scoped3A : memref<!tpu.dma_semaphore, #tpu.memory_space<semaphore_mem>>) src(%arg19 : memref<12288xf32, #tpu.memory_space<vmem>>) dst(%dma_wait3A_160 : memref<12288xf32, #tpu.memory_space<hbm>>)
      tpu.yield
    }) : () -> ()
    "tpu.region"() ({
      %run_scoped3A = tpu.sem_alloc : memref<!tpu.dma_semaphore, #tpu.memory_space<semaphore_mem>>
      %dma_start3A = arith.constant 0 : i32
      %dma_start3A_151 = tpu.memref_slice %arg13[%add3A, %dma_start3A] : memref<32x12288xf32, #tpu.memory_space<hbm>> -> memref<1x12288xf32, #tpu.memory_space<hbm>>
      %dma_start3A_152 = tpu.memref_squeeze %dma_start3A_151 : memref<1x12288xf32, #tpu.memory_space<hbm>> -> memref<12288xf32, #tpu.memory_space<hbm>>
      %dma_start3A_153 = arith.constant 0 : i32
      %dma_start3A_154 = tpu.memref_slice %arg13[%add3A, %dma_start3A_153] : memref<32x12288xf32, #tpu.memory_space<hbm>> -> memref<1x12288xf32, #tpu.memory_space<hbm>>
      %dma_start3A_155 = tpu.memref_squeeze %dma_start3A_154 : memref<1x12288xf32, #tpu.memory_space<hbm>> -> memref<12288xf32, #tpu.memory_space<hbm>>
      tpu.enqueue_dma source(%arg20 : memref<12288xf32, #tpu.memory_space<vmem>>) target(%dma_start3A_155 : memref<12288xf32, #tpu.memory_space<hbm>>) target_semaphore(%run_scoped3A : memref<!tpu.dma_semaphore, #tpu.memory_space<semaphore_mem>>)
      %dma_wait3A = arith.constant 0 : i32
      %dma_wait3A_156 = tpu.memref_slice %arg13[%add3A, %dma_wait3A] : memref<32x12288xf32, #tpu.memory_space<hbm>> -> memref<1x12288xf32, #tpu.memory_space<hbm>>
      %dma_wait3A_157 = tpu.memref_squeeze %dma_wait3A_156 : memref<1x12288xf32, #tpu.memory_space<hbm>> -> memref<12288xf32, #tpu.memory_space<hbm>>
      %dma_wait3A_158 = arith.constant 0 : i32
      %dma_wait3A_159 = tpu.memref_slice %arg13[%add3A, %dma_wait3A_158] : memref<32x12288xf32, #tpu.memory_space<hbm>> -> memref<1x12288xf32, #tpu.memory_space<hbm>>
      %dma_wait3A_160 = tpu.memref_squeeze %dma_wait3A_159 : memref<1x12288xf32, #tpu.memory_space<hbm>> -> memref<12288xf32, #tpu.memory_space<hbm>>
      tpu.wait_dma2 semaphore(%run_scoped3A : memref<!tpu.dma_semaphore, #tpu.memory_space<semaphore_mem>>) src(%arg20 : memref<12288xf32, #tpu.memory_space<vmem>>) dst(%dma_wait3A_160 : memref<12288xf32, #tpu.memory_space<hbm>>)
      tpu.yield
    }) : () -> ()
    %broadcast_in_dim3A_148 = vector.broadcast %mul3A_147 : i32 to vector<16xi32>
    %swap3A_149 = arith.constant 0 : index
    %swap3A_150 = tpu.vector_load %arg27[%swap3A_149] {strides = array<i32>} : memref<16xi32, #tpu.memory_space<vmem>>, vector<16xi32>,
    tpu.vector_store %arg27[%swap3A_149], %broadcast_in_dim3A_148 {strides = array<i32>} : memref<16xi32, #tpu.memory_space<vmem>>, vector<16xi32>,
    "tpu.region"() ({
      %run_scoped3A = tpu.sem_alloc : memref<!tpu.dma_semaphore, #tpu.memory_space<semaphore_mem>>
      %dma_start3A = arith.constant 0 : i32
      %dma_start3A_151 = tpu.memref_slice %arg14[%add3A, %dma_start3A] : memref<32x16xi32, #tpu.memory_space<hbm>> -> memref<1x16xi32, #tpu.memory_space<hbm>>
      %dma_start3A_152 = tpu.memref_squeeze %dma_start3A_151 : memref<1x16xi32, #tpu.memory_space<hbm>> -> memref<16xi32, #tpu.memory_space<hbm>>
      %dma_start3A_153 = arith.constant 0 : i32
      %dma_start3A_154 = tpu.memref_slice %arg14[%add3A, %dma_start3A_153] : memref<32x16xi32, #tpu.memory_space<hbm>> -> memref<1x16xi32, #tpu.memory_space<hbm>>
      %dma_start3A_155 = tpu.memref_squeeze %dma_start3A_154 : memref<1x16xi32, #tpu.memory_space<hbm>> -> memref<16xi32, #tpu.memory_space<hbm>>
      tpu.enqueue_dma source(%arg27 : memref<16xi32, #tpu.memory_space<vmem>>) target(%dma_start3A_155 : memref<16xi32, #tpu.memory_space<hbm>>) target_semaphore(%run_scoped3A : memref<!tpu.dma_semaphore, #tpu.memory_space<semaphore_mem>>)
      %dma_wait3A = arith.constant 0 : i32
      %dma_wait3A_156 = tpu.memref_slice %arg14[%add3A, %dma_wait3A] : memref<32x16xi32, #tpu.memory_space<hbm>> -> memref<1x16xi32, #tpu.memory_space<hbm>>
      %dma_wait3A_157 = tpu.memref_squeeze %dma_wait3A_156 : memref<1x16xi32, #tpu.memory_space<hbm>> -> memref<16xi32, #tpu.memory_space<hbm>>
      %dma_wait3A_158 = arith.constant 0 : i32
      %dma_wait3A_159 = tpu.memref_slice %arg14[%add3A, %dma_wait3A_158] : memref<32x16xi32, #tpu.memory_space<hbm>> -> memref<1x16xi32, #tpu.memory_space<hbm>>
      %dma_wait3A_160 = tpu.memref_squeeze %dma_wait3A_159 : memref<1x16xi32, #tpu.memory_space<hbm>> -> memref<16xi32, #tpu.memory_space<hbm>>
      tpu.wait_dma2 semaphore(%run_scoped3A : memref<!tpu.dma_semaphore, #tpu.memory_space<semaphore_mem>>) src(%arg27 : memref<16xi32, #tpu.memory_space<vmem>>) dst(%dma_wait3A_160 : memref<16xi32, #tpu.memory_space<hbm>>)
      tpu.yield
    }) : () -> ()
    return
  }
}

</mosaic_0001>

<sc_bundles>
// kernel: _partition.3.cloned.1.call-start
scs
__scs_entry_jumppad:
0x0: {  	(pc) =	sbr.rel $0x88, $3  }
0x1: {  	(tag) =	ssettag $0x0;
	lr =	simm.s32 $0x1  }
0x2: {  	[smem:$0x3F9B] =	sst lr;
	_ =	strace $0xD0000000  }
0x3: {  	_ = 	snop  }
0x4: {  	_ = 	snop  }
0x5: {  	_ = 	snop  }
0x6: {  	_ = 	snop  }
0x7: {  	_ = 	snop  }
__scs_overlays_trampoline_lowered:
0x8: {  	[smem:$0x3FAA] =	sst s0  }
0x9: {  	[smem:$0x3FAB] =	sst s1  }
0xa: {  	[smem:$0x3FAC] =	sst s2  }
0xb: {  	[smem:$0x3FAD] =	sst s3  }
0xc: {  	[smem:$0x3FAE] =	sst s4  }
0xd: {  	[smem:$0x3FAF] =	sst s5  }
0xe: {  	[smem:$0x3FB0] =	sst s6  }
0xf: {  	[smem:$0x3FB1] =	sst s7  }
0x10: {  	[smem:$0x3FB2] =	sst s8  }
0x11: {  	[smem:$0x3FB3] =	sst s9;
	s0 =	simm.s32 @!p0 $0x0  }
0x12: {  	s1 =	sld [smem:$0x3F99];
	s0 =	simm.s32 @p0 $0x1  }
0x13: {  	[smem:$0x3FB4] =	sst s0;
	s0 =	simm.s32 @!p1 $0x0  }
0x14: {  	s2 =	sld [smem:$0x3F98];
	s0 =	simm.s32 @p1 $0x1  }
0x15: {  	[smem:$0x3FB5] =	sst s0;
	s0 =	simm.s32 @!p2 $0x0  }
0x16: {  	s3 =	sld [smem:$0x3FDB];
	s0 =	simm.s32 @p2 $0x1  }
0x17: {  	s4 =	simm.s32 $0x1BF5;
	[smem:$0x3FB7] =	sst s0  }
0x18: {  	s0 =	sld [smem:$0x3F9A];
	_ =	swait.ge [sflag:s4], $0x0  }
0x19: {  	s7 =	sld [smem:$0x3F9B]  }
0x1a: {  	s8 =	sadd.s32 $0xFFFFE003, lr  }
0x1b: {  	s9 =	sadd.s32 $0xFFFFFEF7, lr;
	s5 =	simm.s32 $0xFFFFFFFF;
	p2 =	slt.u32 s8, $0xFFFFF086  }
0x1c: {  	p1 =	slt.u32 s9, $0xF7A;
	s5 =	simm.s32 @!p2 $0x0  }
0x1d: {  	s5 =	simm.s32 @p1 $0x1;
	p0 =	seq.s32 s7, s2  }
0x1e: {  	s7 =	smul.u32 @!p0 $0xF7A, s2;
	p2 =	seq.s32 @!p0 s5, $0x0  }
0x1f: {  	s9 =	smul.u32 $0xF7A, s1;
	s8 =	simm.s32 @!p0 $0x1BF5;
	p2 =	por !p2, p0  }
0x20: {  	[sflag:s8] =	ssyncset.s32 @!p0 $0xFFFFF086;
	s6 =	sadd.s32 @!p0 s3, s7;
	s7 =	simm.s32 @!p0 $0x108  }
0x21: {  	s3 =	sadd.s32 s3, s9;
	s6 =	sadd.s32 @!p0 $0x88, s6;
	s7 =	simm.s32 @p2 $0x1082  }
0x22: {  	[simem:s7], [sflag:s8] =	dma.local @!p0 [hbm:s6], $0xF7A  }
0x23: {  	s9 =	sor.u32 $0xD0000000, s2;
	s6 =	simm.s32 $0x108;
	_ =	swait.ge @!p0 [sflag:s8], $0x0  }
0x24: {  	s3 =	sadd.s32 $0x88, s3;
	s6 =	simm.s32 @!p1 $0x1082;
	[sflag:s4] =	ssyncset.s32 $0xFFFFF086  }
0x25: {  	[simem:s6], [sflag:s4] =	dma.local [hbm:s3], $0xF7A  }
0x26: {  	[smem:$0x3F9B] =	sst s1;
	(tag) =	ssettag s2;
	_ =	strace s9  }
0x27: {  	s1 =	sld [smem:$0x3FAB]  }
0x28: {  	s2 =	sld [smem:$0x3FAC]  }
0x29: {  	s4 =	sld [smem:$0x3FAE]  }
0x2a: {  	p0 =	seq.s32 s5, $0x0;
	s5 =	sld [smem:$0x3FAF]  }
0x2b: {  	s6 =	sld [smem:$0x3FB0]  }
0x2c: {  	s7 =	sld [smem:$0x3FB1]  }
0x2d: {  	s3 =	simm.s32 $0x108;
	s8 =	sld [smem:$0x3FB2]  }
0x2e: {  	s3 =	simm.s32 @!p0 $0x1082;
	s9 =	sld [smem:$0x3FB3]  }
0x2f: {  	lr =	sadd.s32 s0, s3;
	s0 =	sld [smem:$0x3FAA]  }
0x30: {  	s3 =	sld [smem:$0x3FAD]  }
0x31: {  	[smem:$0x3FB6] =	sst s10  }
0x32: {  	s10 =	sld [smem:$0x3FB4];
	_ =	sdelay $0x3  }
0x33: {  	p0 =	seq.s32 s10, $0x1;
	s10 =	sld [smem:$0x3FB6];
	_ =	sdelay $0x3  }
0x34: {  	[smem:$0x3FB6] =	sst s10  }
0x35: {  	s10 =	sld [smem:$0x3FB5];
	_ =	sdelay $0x3  }
0x36: {  	p1 =	seq.s32 s10, $0x1;
	s10 =	sld [smem:$0x3FB6];
	_ =	sdelay $0x3  }
0x37: {  	[smem:$0x3FB6] =	sst s10  }
0x38: {  	s10 =	sld [smem:$0x3FB7]  }
0x39: {  	_ = 	snop;
	(pc) =	sbr.ind lr, $3  }
0x3a: {  	_ = 	snop  }
0x3b: {  	_ = 	snop  }
0x3c: {  	p2 =	seq.s32 s10, $0x1;
	s10 =	sld [smem:$0x3FB6]  }
0x3d: {  	_ =	shalt  }
0x3e: {  	_ =	shalt  }
0x3f: {  	_ =	shalt  }
0x40: {  	_ =	shalt  }
0x41: {  	_ =	shalt  }
0x42: {  	_ =	shalt  }
0x43: {  	_ =	shalt  }
0x44: {  	_ =	shalt  }
0x45: {  	_ =	shalt  }
0x46: {  	_ =	shalt  }
0x47: {  	_ =	shalt  }
0x48: {  	_ =	shalt  }
0x49: {  	_ =	shalt  }
0x4a: {  	_ =	shalt  }
0x4b: {  	_ =	shalt  }
0x4c: {  	_ =	shalt  }
0x4d: {  	_ =	shalt  }
0x4e: {  	_ =	shalt  }
0x4f: {  	_ =	shalt  }
0x50: {  	_ =	shalt  }
0x51: {  	_ =	shalt  }
0x52: {  	_ =	shalt  }
0x53: {  	_ =	shalt  }
0x54: {  	_ =	shalt  }
0x55: {  	_ =	shalt  }
0x56: {  	_ =	shalt  }
0x57: {  	_ =	shalt  }
0x58: {  	_ =	shalt  }
0x59: {  	_ =	shalt  }
0x5a: {  	_ =	shalt  }
0x5b: {  	_ =	shalt  }
0x5c: {  	_ =	shalt  }
0x5d: {  	_ =	shalt  }
0x5e: {  	_ =	shalt  }
0x5f: {  	_ =	shalt  }
0x60: {  	_ =	shalt  }
0x61: {  	_ =	shalt  }
0x62: {  	_ =	shalt  }
0x63: {  	_ =	shalt  }
0x64: {  	_ =	shalt  }
0x65: {  	_ =	shalt  }
0x66: {  	_ =	shalt  }
0x67: {  	_ =	shalt  }
0x68: {  	_ =	shalt  }
0x69: {  	_ =	shalt  }
0x6a: {  	_ =	shalt  }
0x6b: {  	_ =	shalt  }
0x6c: {  	_ =	shalt  }
0x6d: {  	_ =	shalt  }
0x6e: {  	_ =	shalt  }
0x6f: {  	_ =	shalt  }
0x70: {  	_ =	shalt  }
0x71: {  	_ =	shalt  }
0x72: {  	_ =	shalt  }
0x73: {  	_ =	shalt  }
0x74: {  	_ =	shalt  }
0x75: {  	_ =	shalt  }
0x76: {  	_ =	shalt  }
0x77: {  	_ =	shalt  }
0x78: {  	_ =	shalt  }
0x79: {  	_ =	shalt  }
0x7a: {  	_ =	shalt  }
0x7b: {  	_ =	shalt  }
0x7c: {  	_ =	shalt  }
0x7d: {  	_ =	shalt  }
0x7e: {  	_ =	shalt  }
0x7f: {  	_ =	shalt  }
0x80: {  	_ =	shalt  }
0x81: {  	_ =	shalt  }
0x82: {  	_ =	shalt  }
0x83: {  	_ =	shalt  }
0x84: {  	_ =	shalt  }
0x85: {  	_ =	shalt  }
0x86: {  	_ =	shalt  }
0x87: {  	_ =	shalt  }
.Lfunc_end0:
.L_simem_size_0:
called_computation_lowered:
.L_overlay_start_0:
0x88: {  	s2 =	sld [smem:$0x3FD9]  }
0x89: {  	s3 =	sld [smem:$0x3FFE];
	_ =	sdelay $0x1  }
0x8a: {  	s1 =	srdreg.scid  }
0x8b: {  	s0 =	sand.u32 $0x1, s1  }
0x8c: {  	s28 =	sshll.u32 s0, $0xA;
	s2 =	sadd.s32 s3, s2  }
0x8d: {  	s2 =	sadd.s32 s2, s28  }
0x8e: {  	[smem:$0x3FC2] =	sst s2  }
0x8f: {  	_ = 	snop  }
0x90: {  	s2 =	sld [smem:$0x3FC9]  }
0x91: {  	s3 =	sld [smem:$0x3FC8]  }
0x92: {  	s4 =	sld [smem:$0x3FC7]  }
0x93: {  	s5 =	sld [smem:$0x3FD0]  }
0x94: {  	s6 =	sld [smem:$0x3FC6]  }
0x95: {  	s7 =	sld [smem:$0x3FC5]  }
0x96: {  	s9 =	simm.s32 $0xA;
	s10 =	simm.s32 $0x10;
	s8 =	sld [smem:$0x3FC4]  }
0x97: {  	[smem:s10], [sflag:s9] =	dma.local [hbm:s5], $0x1  }
0x98: {  	_ =	swait.eq [sflag:s9], $0x1  }
0x99: {  	s29 =	sld [smem:$0x10]  }
0x9a: {  	s30 =	sld [smem:$0x11]  }
0x9b: {  	s11 =	sld [smem:$0x12]  }
0x9c: {  	s12 =	sld [smem:$0x13];
	[sflag:s9] =	ssyncset.done $0x0  }
0x9d: {  	s13 =	sld [smem:$0x14];
	[sflag:s9] =	ssyncadd.s32 $0xFFFFFFFF  }
0x9e: {  	s31 =	sld [smem:$0x15];
	(tm) =	ssettm $0x1  }
0x9f: {  	s14 =	sld [smem:$0x3FFB];
	_ =	sdelay $0x3  }
0xa0: {  	_ =	strace s14  }
0xa1: {  	s14 =	sld [smem:$0x3FFC];
	_ =	sdelay $0x3  }
0xa2: {  	_ =	strace s14  }
0xa3: {  	s14 =	sld [smem:$0x3FFD];
	_ =	sdelay $0x3  }
0xa4: {  	_ =	strace s14  }
0xa5: {  	_ =	strace $0x8FFFFFFF  }
0xa6: {  	s19 =	sld [smem:$0x3FDB];
	_ =	sdelay $0x1  }
0xa7: {  	s15 =	simm.s32 $_scs_section_size  }
0xa8: {  	s16 =	simm.s32 $_size__tile_overlayer_lowered;
	s17 =	simm.s32 $_tile_overlayer_lowered  }
0xa9: {  	s22 =	simm.s32 $0x1BFF;
	s21 =	sshll.u32 s17, $0x1;
	s14 =	sadd.s32 s15, s19  }
0xaa: {  	s18 =	simm.s32 $0x0;
	s20 =	sshll.u32 s16, $0x1;
	s16 =	sadd.s32 s21, s14  }
0xab: {  	[timem:s18], [sflag:s22] =	dma.local [hbm:s16], s20  }
0xac: {  	_ =	swait.ge [sflag:s22], s20  }
0xad: {  	s15 =	ssub.s32 $0x0, s20;
	[sflag:s22] =	ssyncset.done $0x0  }
0xae: {  	[sflag:s22] =	ssyncadd.s32 s15;
	_ =	sdelay $0x1  }
0xaf: {  	s23 =	simm.s32 $0x1B8B  }
0xb0: {  	_ =	swait.ge [sflag:s23], $0x1  }
0xb1: {  	[sflag:s23] =	ssyncset.done $0x0  }
0xb2: {  	s25 =	simm.s32 $0x1B8E;
	s24 =	sld [smem:$0x3FFE];
	[sflag:s23] =	ssyncadd.s32 $0xFFFFFFFF  }
0xb3: {  	s26 =	simm.s32 $execute0_lowered;
	[smem:$0x3FD2] =	sst s25  }
0xb4: {  	s16 =	sshll.u32 s26, $0x1;
	_ =	strace $0x80000046;
	[dreg:$0x1] =	wrdreg $0xFFFFFFFF  }
0xb5: {  	s28 =	simm.s32 $_size_execute0_lowered;
	s14 =	sadd.s32 s14, s16;
	[dreg:$0x0] =	wrdreg $0x0  }
0xb6: {  	s16 =	sshll.u32 s28, $0x1;
	[dreg:$0x2] =	wrdreg s14  }
0xb7: {  	[dreg:$0x3] =	wrdreg s16  }
0xb8: {  	[dreg:$0x4] =	wrdreg $0xC0  }
0xb9: {  	_ =	task [dreg:s18], $0x5FFFF  }
0xba: {  	[dreg:$0x1] =	wrdreg $0xFFFFFFFF  }
0xbb: {  	[dreg:$0x0] =	wrdreg $0x60  }
0xbc: {  	[dreg:$0x2] =	wrdreg s2  }
0xbd: {  	[dreg:$0x3] =	wrdreg s3  }
0xbe: {  	[dreg:$0x4] =	wrdreg s4  }
0xbf: {  	[dreg:$0x5] =	wrdreg s6  }
0xc0: {  	[dreg:$0x6] =	wrdreg s7  }
0xc1: {  	[dreg:$0x7] =	wrdreg s8  }
0xc2: {  	[dreg:$0x8] =	wrdreg s29  }
0xc3: {  	[dreg:$0x9] =	wrdreg s30  }
0xc4: {  	[dreg:$0xa] =	wrdreg s11  }
0xc5: {  	[dreg:$0xb] =	wrdreg s12  }
0xc6: {  	[dreg:$0xc] =	wrdreg s13  }
0xc7: {  	[dreg:$0xd] =	wrdreg s31  }
0xc8: {  	[dreg:$0xe] =	wrdreg s24  }
0xc9: {  	[dreg:$0xf] =	wrdreg $0x9  }
0xca: {  	_ =	task.clear_ibuf [dreg:s18], $0x10FFFF;
	_ =	strace $0x90000046  }
0xcb: {  	s29 =	simm.s32 $0x9;
	_ =	strace $0x80000048  }
0xcc: {  	_ =	swait.ge [sflag:s29], $0x1  }
0xcd: {  	[sflag:s29] =	ssyncadd.s32 $0xFFFFFFFF  }
0xce: {  	_ =	strace $0x90000048  }
0xcf: {  	_ =	sfence  }
0xd0: {  	s30 =	sld [smem:$0x0];
	_ =	sdelay $0x2  }
0xd1: {  	s31 =	sshll.u32 s1, $0xD;
	s1 =	sshrl.u32 s1, $0x2  }
0xd2: {  	s3 =	sand.u32 $0x4000, s31;
	s1 =	sadd.s32 s1, s30  }
0xd3: {  	s0 =	sor.u32 s3, s0;
	s1 =	sshll.u32 s1, $0x11  }
0xd4: {  	s0 =	sor.u32 s1, s0  }
0xd5: {  	s0 =	sadd.s32 $0x8F2B, s0  }
0xd6: {  	[sflag:s0] =	ssyncadd.remote.s32 $0x1  }
0xd7: {  	_ =	sfence.sel $0xFFFF  }
0xd8: {  	[dreg:$0x0] =	wrdreg $0xFFFFFFFF;
	(pc) =	sbr.abs _section_cstart, $3  }
0xd9: {  	[dreg:$0x1] =	wrdreg $0xFFFFFFFF  }
0xda: {  	_ =	task.clear_ibuf [dreg:s18], $0x2FFFF;
	_ =	strace $0x9FFFFFFF  }
0xdb: {  	(tm) =	ssettm $0x7FFFFFFF  }
tec
execute0_lowered:
.L_overlay_start_1:
0x0: {  	(tag) =	ssettag $0x1  }
0x1: {  	s0 =	rddreg [dreg:$0x0]  }
0x2: {  	s1 =	rddreg [dreg:$0x1]  }
0x3: {  	s2 =	rddreg [dreg:$0x2]  }
0x4: {  	s3 =	rddreg [dreg:$0x3]  }
0x5: {  	s4 =	rddreg [dreg:$0x4]  }
0x6: {  	s5 =	rddreg [dreg:$0x5]  }
0x7: {  	s6 =	rddreg [dreg:$0x6]  }
0x8: {  	s7 =	rddreg [dreg:$0x7]  }
0x9: {  	s9 =	rddreg [dreg:$0x8]  }
0xa: {  	s10 =	rddreg [dreg:$0x9]  }
0xb: {  	s11 =	rddreg [dreg:$0xa]  }
0xc: {  	s12 =	rddreg [dreg:$0xb];
	s8 =	srdreg.scid  }
0xd: {  	s16 =	stileid.u32;
	s13 =	rddreg [dreg:$0xc];
	s29 =	simm.s32 $0xF000  }
0xe: {  	s30 =	simm.s32 $0x80;
	s14 =	sand.u32 $0x1, s8;
	s18 =	sshll.u32 s16, $0x1  }
0xf: {  	s8 =	simm.s32 $0x0;
	s16 =	sshrl.u32 s16, $0x2;
	s15 =	sor.u32 s14, s18  }
0x10: {  	[smem:$0x7FF] =	sst s8;
	s18 =	sshll.u32 s16, $0xA;
	s16 =	smul.u32 $0x18000, s16  }
0x11: {  	s14 =	ssub.s32 $0x2, s14;
	s17 =	sshll.u32 s15, $0x7;
	_ =	strace $0x80000047  }
0x12: {  	s28 =	smul.u32 $0x140, s15;
	s20 =	sshrl.u32 s14, $0x1;
	s17 =	sand.u32 $0x380, s17  }
0x13: {  	s21 =	ssub.s32 s14, s20;
	s20 =	simm.s32 $0x13000;
	s18 =	sor.u32 s18, s17  }
0x14: {  	s16 =	sor.u32 s16, s17;
	s31 =	sadd.s32 $0x140, s28;
	s17 =	simm.s32 $0x12000  }
0x15: {  	v0 =	vmov s28;
	s28 =	simm.s32 $0xC000;
	s18 =	sshrl.u32 s18, $0x3;
	s22 =	sshrl.u32 s16, $0x3  }
0x16: {  	s16 =	smax.u32 s21, $0x1;
	s21 =	simm.s32 $0x13800;
	s6 =	sadd.s32 s6, s22  }
0x17: {  	v1 =	vmov s31;
	s31 =	simm.s32 $0x400;
	s23 =	sadd.s32 s7, s22;
	[dreg:$0xe] =	wrdreg s6  }
0x18: {  	s19 =	sadd.s32 s18, s13;
	s24 =	sadd.s32 s9, s22;
	[dreg:$0xf] =	wrdreg s23  }
0x19: {  	s25 =	sadd.s32 s10, s22;
	s26 =	sadd.s32 s11, s22;
	[dreg:$0x10] =	wrdreg s24  }
0x1a: {  	s14 =	sadd.s32 s12, s22;
	s18 =	simm.s32 $0x1;
	[dreg:$0x11] =	wrdreg s25  }
0x1b: {  	s22 =	simm.s32 $0x14000;
	[dreg:$0x12] =	wrdreg s26;
	s15 =	sadd.s32 $0x800, s19  }
0x1c: {  	s19 =	simm.s32 $0x12800;
	s23 =	simm.s32 $0x14800;
	s24 =	simm.s32 $0x3000  }
0x1d: {  	v2 =	vimm.s32 $0x0;
	v3 =	vimm.f32 $0.0e+00;
	s25 =	simm.s32 $0x6000;
	s26 =	simm.s32 $0x9000;
	s6 =	simm.s32 $0x0  }
.LBB2_1:
0x1e: {  	s9 =	simm.s32 $0x0;
	s7 =	simm.s32 $0x0  }
.LBB2_2:
0x1f: {  	s10 =	smul.u32 $0xFA, s7;
	_ =	sdelay $0x1  }
0x20: {  	s12 =	simm.s32 $0x0;
	s11 =	sadd.s32 s0, s10  }
0x21: {  	[tilespmem:s17], [sflag:$0x1] =	stream.linear.gather [hbm4b:s11+s12], $0x7D0, $0x38;
	[tilespmem:$0x15080] =	vst v63  }
0x22: {  	_ =	swait.ge [sflag:s18], $0x7D0  }
0x23: {  	[sflag:s18] =	ssyncset.done $0x0  }
0x24: {  	s13 =	sadd.s32 s1, s10;
	[sflag:s18] =	ssyncadd.s32 $0xFFFFF830  }
0x25: {  	[tilespmem:s19], [sflag:$0x1] =	stream.linear.gather [hbm4b:s13+s12], $0x7D0, $0x38;
	[tilespmem:$0x15080] =	vst v63  }
0x26: {  	_ =	swait.ge [sflag:s18], $0x7D0  }
0x27: {  	[sflag:s18] =	ssyncset.done $0x0  }
0x28: {  	s13 =	sadd.s32 s2, s10;
	[sflag:s18] =	ssyncadd.s32 $0xFFFFF830  }
0x29: {  	[tilespmem:s20], [sflag:$0x1] =	stream.linear.gather [hbm4b:s13+s12], $0x7D0, $0x38;
	[tilespmem:$0x15080] =	vst v63  }
0x2a: {  	_ =	swait.ge [sflag:s18], $0x7D0  }
0x2b: {  	[sflag:s18] =	ssyncset.done $0x0  }
0x2c: {  	s13 =	sadd.s32 s3, s10;
	[sflag:s18] =	ssyncadd.s32 $0xFFFFF830  }
0x2d: {  	[tilespmem:s21], [sflag:$0x1] =	stream.linear.gather [hbm4b:s13+s12], $0x7D0, $0x38;
	[tilespmem:$0x15080] =	vst v63  }
0x2e: {  	_ =	swait.ge [sflag:s18], $0x7D0  }
0x2f: {  	[sflag:s18] =	ssyncset.done $0x0  }
0x30: {  	s13 =	sadd.s32 s4, s10;
	[sflag:s18] =	ssyncadd.s32 $0xFFFFF830  }
0x31: {  	[tilespmem:s22], [sflag:$0x1] =	stream.linear.gather [hbm4b:s13+s12], $0x7D0, $0x38;
	[tilespmem:$0x15080] =	vst v63  }
0x32: {  	_ =	swait.ge [sflag:s18], $0x7D0  }
0x33: {  	[sflag:s18] =	ssyncset.done $0x0  }
0x34: {  	s10 =	sadd.s32 s5, s10;
	[sflag:s18] =	ssyncadd.s32 $0xFFFFF830  }
0x35: {  	[tilespmem:s23], [sflag:$0x1] =	stream.linear.gather [hbm4b:s10+s12], $0x7D0, $0x38;
	[tilespmem:$0x15080] =	vst v63  }
0x36: {  	_ =	swait.ge [sflag:s18], $0x7D0  }
0x37: {  	[sflag:s18] =	ssyncset.done $0x0  }
0x38: {  	s12 =	simm.s32 $0x0;
	[sflag:s18] =	ssyncadd.s32 $0xFFFFF830  }
0x39: {  	v5 =	vld [tilespmem:s12+$0x12800];
	_ =	sdelay $0x4  }
0x3a: {  	vm0 =	vge.s32 v5, v0;
	vm1 =	vlt.s32 v5, v1  }
0x3b: {  	vm0 =	vmand vm0, vm1  }
0x3c: {  	v4 =	vsel vm0, $0x1, v2  }
0x3d: {  	(xrf0) =	vadd.scan.msk.s32 $0xffff, v4;
	_ =	sdelay $0x2  }
0x3e: {  	v4 =	vmov s9  }
0x3f: {  	v4 =	vadd.s32 $0xFFFFFFFF, v4  }
0x40: {  	v4 =	vbroadcast v4, $0x0  }
0x41: {  	v6, _, _ =	vpop (xrf0)  }
0x42: {  	v7 =	vld [tilespmem:s12+$0x12000];
	v4 =	vadd.s32 v6, v4;
	_ =	sdelay $0x4  }
0x43: {  	[tilespmem:v4+s8+$0x0] =	vst.idx.msk vm0, v7  }
0x44: {  	[tilespmem:v4+s24+$0x0] =	vst.idx.msk vm0, v5  }
0x45: {  	(v2sf) =	vpush v6, $0xF;
	v5 =	vld [tilespmem:s12+$0x13000];
	_ =	sdelay $0x4  }
0x46: {  	[tilespmem:v4+s25+$0x0] =	vst.idx.msk vm0, v5  }
0x47: {  	v5 =	vld [tilespmem:s12+$0x13800];
	_ =	sdelay $0x4  }
0x48: {  	[tilespmem:v4+s26+$0x0] =	vst.idx.msk vm0, v5  }
0x49: {  	v5 =	vld [tilespmem:s12+$0x14000];
	_ =	sdelay $0x2  }
0x4a: {  	s13 =	spop (v2sf)  }
0x4b: {  	s9 =	sadd.s32 s9, s13  }
0x4c: {  	v6 =	vmov s9;
	[tilespmem:v4+s28+$0x0] =	vst.idx.msk vm0, v5  }
0x4d: {  	s11 =	simm.s32 $0x80;
	s10 =	simm.s32 $0x40;
	v5 =	vadd.s32 $0xFFFFFFFF, v6;
	v6 =	vld [tilespmem:s12+$0x14800]  }
.LBB2_3:
0x4e: {  	_ =	sdelay $0x2  }
0x4f: {  	p0 =	sne.s32 s11, $0x1F00  }
0x50: {  	s12 =	sshra.s32 s10, $0x2;
	s10 =	smov.u32 s11;
	s11 =	sadd.s32 $0x40, s11;
	[tilespmem:v4+s29+$0x0] =	vst.idx.msk vm0, v6  }
0x51: {  	v6 =	vld [tilespmem:s12+$0x12800];
	_ =	sdelay $0x4  }
0x52: {  	vm0 =	vge.s32 v6, v0;
	vm1 =	vlt.s32 v6, v1  }
0x53: {  	vm0 =	vmand vm0, vm1  }
0x54: {  	v4 =	vsel vm0, $0x1, v2  }
0x55: {  	(xrf0) =	vadd.scan.msk.s32 $0xffff, v4;
	_ =	sdelay $0x4  }
0x56: {  	v4 =	vbroadcast v5, $0x0  }
0x57: {  	v5, _, _ =	vpop (xrf0)  }
0x58: {  	v4 =	vadd.s32 v5, v4;
	v7 =	vld [tilespmem:s12+$0x12000];
	(v2sf) =	vpush v5, $0xF;
	_ =	sdelay $0x4  }
0x59: {  	[tilespmem:v4+s8+$0x0] =	vst.idx.msk vm0, v7  }
0x5a: {  	[tilespmem:v4+s24+$0x0] =	vst.idx.msk vm0, v6  }
0x5b: {  	v5 =	vld [tilespmem:s12+$0x13000];
	_ =	sdelay $0x4  }
0x5c: {  	[tilespmem:v4+s25+$0x0] =	vst.idx.msk vm0, v5  }
0x5d: {  	v6 =	vld [tilespmem:s12+$0x13800];
	_ =	sdelay $0x1  }
0x5e: {  	s13 =	spop (v2sf)  }
0x5f: {  	s9 =	sadd.s32 s9, s13  }
0x60: {  	v5 =	vmov s9  }
0x61: {  	v5 =	vadd.s32 $0xFFFFFFFF, v5;
	[tilespmem:v4+s26+$0x0] =	vst.idx.msk vm0, v6  }
0x62: {  	v6 =	vld [tilespmem:s12+$0x14000];
	_ =	sdelay $0x1  }
.Ltmp0:
0x63: {  	(pc) =	sbr.rel @p0 .LBB2_3-.Ltmp0, $3  }
0x64: {  	_ =	sdelay $0x1  }
0x65: {  	[tilespmem:v4+s28+$0x0] =	vst.idx.msk vm0, v6  }
0x66: {  	v6 =	vld [tilespmem:s12+$0x14800]  }
0x67: {  	_ =	sdelay $0x4  }
0x68: {  	s10 =	sshra.s32 s10, $0x2;
	[tilespmem:v4+s29+$0x0] =	vst.idx.msk vm0, v6  }
0x69: {  	v4 =	vld [tilespmem:s10+$0x12800];
	_ =	sdelay $0x4  }
0x6a: {  	vm15 =	vge.s32 v4, v0;
	vm1 =	vlt.s32 v4, v1  }
0x6b: {  	vm0 =	vmand vm15, vm1  }
0x6c: {  	v63 =	vsel vm0, $0x1, v2  }
0x6d: {  	(xrf0) =	vadd.scan.msk.s32 $0xffff, v63;
	_ =	sdelay $0x4  }
0x6e: {  	v5 =	vbroadcast v5, $0x0  }
0x6f: {  	v6, _, _ =	vpop (xrf0)  }
0x70: {  	v7 =	vld [tilespmem:s10+$0x12000];
	v5 =	vadd.s32 v6, v5;
	_ =	sdelay $0x4  }
0x71: {  	[tilespmem:v5+s8+$0x0] =	vst.idx.msk vm0, v7  }
0x72: {  	[tilespmem:v5+s24+$0x0] =	vst.idx.msk vm0, v4  }
0x73: {  	v4 =	vld [tilespmem:s10+$0x13000];
	_ =	sdelay $0x4  }
0x74: {  	[tilespmem:v5+s25+$0x0] =	vst.idx.msk vm0, v4  }
0x75: {  	v4 =	vld [tilespmem:s10+$0x13800]  }
0x76: {  	(v2sf) =	vpush v6, $0xF;
	_ =	sdelay $0x3  }
0x77: {  	[tilespmem:v5+s26+$0x0] =	vst.idx.msk vm0, v4  }
0x78: {  	v4 =	vld [tilespmem:s10+$0x14000];
	_ =	sdelay $0x4  }
0x79: {  	s7 =	sadd.s32 $0x1, s7;
	[tilespmem:v5+s28+$0x0] =	vst.idx.msk vm0, v4  }
0x7a: {  	p0 =	sne.s32 s7, $0xA0;
	v4 =	vld [tilespmem:s10+$0x14800]  }
.Ltmp1:
0x7b: {  	_ = 	snop;
	(pc) =	sbr.rel @p0 .LBB2_2-.Ltmp1, $3  }
0x7c: {  	_ =	sdelay $0x1  }
0x7d: {  	s13 =	spop (v2sf)  }
0x7e: {  	s9 =	sadd.s32 s9, s13;
	[tilespmem:v5+s29+$0x0] =	vst.idx.msk vm0, v4  }
0x7f: {  	[tilespmem:s9+$0x0] =	vst v2  }
0x80: {  	[tilespmem:s9+$0x3000] =	vst v1  }
0x81: {  	[tilespmem:s9+$0x6000] =	vst v3  }
0x82: {  	[tilespmem:s9+$0x9000] =	vst v3  }
0x83: {  	[tilespmem:s9+$0xC000] =	vst v3  }
0x84: {  	[tilespmem:s9+$0xF000] =	vst v3  }
0x85: {  	[tilespmem:s9+$0x10] =	vst v2  }
0x86: {  	[tilespmem:s9+$0x3010] =	vst v1  }
0x87: {  	[tilespmem:s9+$0x6010] =	vst v3  }
0x88: {  	[tilespmem:s9+$0x9010] =	vst v3  }
0x89: {  	[tilespmem:s9+$0xC010] =	vst v3  }
0x8a: {  	[tilespmem:s9+$0xF010] =	vst v3  }
0x8b: {  	[tilespmem:s9+$0x20] =	vst v2  }
0x8c: {  	[tilespmem:s9+$0x3020] =	vst v1  }
0x8d: {  	[tilespmem:s9+$0x6020] =	vst v3  }
0x8e: {  	[tilespmem:s9+$0x9020] =	vst v3  }
0x8f: {  	[tilespmem:s9+$0xC020] =	vst v3  }
0x90: {  	[tilespmem:s9+$0xF020] =	vst v3  }
0x91: {  	[tilespmem:s9+$0x30] =	vst v2  }
0x92: {  	[tilespmem:s9+$0x3030] =	vst v1  }
0x93: {  	[tilespmem:s9+$0x6030] =	vst v3  }
0x94: {  	[tilespmem:s9+$0x9030] =	vst v3  }
0x95: {  	[tilespmem:s9+$0xC030] =	vst v3  }
0x96: {  	[tilespmem:s9+$0xF030] =	vst v3  }
0x97: {  	[tilespmem:s9+$0x40] =	vst v2  }
0x98: {  	[tilespmem:s9+$0x3040] =	vst v1  }
0x99: {  	[tilespmem:s9+$0x6040] =	vst v3  }
0x9a: {  	[tilespmem:s9+$0x9040] =	vst v3  }
0x9b: {  	[tilespmem:s9+$0xC040] =	vst v3  }
0x9c: {  	[tilespmem:s9+$0xF040] =	vst v3  }
0x9d: {  	[tilespmem:s9+$0x50] =	vst v2  }
0x9e: {  	[tilespmem:s9+$0x3050] =	vst v1  }
0x9f: {  	[tilespmem:s9+$0x6050] =	vst v3  }
0xa0: {  	[tilespmem:s9+$0x9050] =	vst v3  }
0xa1: {  	[tilespmem:s9+$0xC050] =	vst v3  }
0xa2: {  	[tilespmem:s9+$0xF050] =	vst v3  }
0xa3: {  	[tilespmem:s9+$0x60] =	vst v2  }
0xa4: {  	[tilespmem:s9+$0x3060] =	vst v1  }
0xa5: {  	[tilespmem:s9+$0x6060] =	vst v3  }
0xa6: {  	[tilespmem:s9+$0x9060] =	vst v3  }
0xa7: {  	[tilespmem:s9+$0xC060] =	vst v3  }
0xa8: {  	[tilespmem:s9+$0xF060] =	vst v3  }
0xa9: {  	[tilespmem:s9+$0x70] =	vst v2  }
0xaa: {  	[tilespmem:s9+$0x3070] =	vst v1  }
0xab: {  	[tilespmem:s9+$0x6070] =	vst v3  }
0xac: {  	[tilespmem:s9+$0x9070] =	vst v3  }
0xad: {  	[tilespmem:s9+$0xC070] =	vst v3  }
0xae: {  	[tilespmem:s9+$0xF070] =	vst v3;
	s7 =	rddreg [dreg:$0xe]  }
0xaf: {  	[hbm4b:s7+s30] =	stream.strided.scatter [tilespmem:s8], [sflag:$0x1], $0x3000, s31, s30, $0x38;
	[tilespmem:$0x15080] =	vst v63  }
0xb0: {  	_ =	swait.ge [sflag:s18], $0x3000  }
0xb1: {  	[sflag:s18] =	ssyncset.done $0x0  }
0xb2: {  	s11 =	rddreg [dreg:$0xf];
	[sflag:s18] =	ssyncadd.s32 $0xFFFFD000  }
0xb3: {  	[hbm4b:s11+s30] =	stream.strided.scatter [tilespmem:s24], [sflag:$0x1], $0x3000, s31, s30, $0x38;
	[tilespmem:$0x15080] =	vst v63  }
0xb4: {  	_ =	swait.ge [sflag:s18], $0x3000  }
0xb5: {  	[sflag:s18] =	ssyncset.done $0x0  }
0xb6: {  	s12 =	rddreg [dreg:$0x10];
	[sflag:s18] =	ssyncadd.s32 $0xFFFFD000  }
0xb7: {  	[hbm4b:s12+s30] =	stream.strided.scatter [tilespmem:s25], [sflag:$0x1], $0x3000, s31, s30, $0x38;
	[tilespmem:$0x15080] =	vst v63  }
0xb8: {  	_ =	swait.ge [sflag:s18], $0x3000  }
0xb9: {  	s13 =	sadd.s32 $0x7F, s9;
	[sflag:s18] =	ssyncset.done $0x0  }
0xba: {  	s11 =	sand.u32 $0x7F, s13;
	s10 =	rddreg [dreg:$0x11];
	[sflag:s18] =	ssyncadd.s32 $0xFFFFD000  }
0xbb: {  	[hbm4b:s10+s30] =	stream.strided.scatter [tilespmem:s26], [sflag:$0x1], $0x3000, s31, s30, $0x38;
	[tilespmem:$0x15080] =	vst v63  }
0xbc: {  	p1 =	slt.s32 s13, $0x1;
	p0 =	sne.s32 s11, $0x0;
	_ =	swait.ge [sflag:s18], $0x3000  }
0xbd: {  	p0 =	por !p1, !p0;
	[sflag:s18] =	ssyncset.done $0x0  }
0xbe: {  	s12 =	sshra.s32 s13, $0x1F;
	s10 =	rddreg [dreg:$0x12];
	[sflag:s18] =	ssyncadd.s32 $0xFFFFD000  }
0xbf: {  	[hbm4b:s10+s30] =	stream.strided.scatter [tilespmem:s28], [sflag:$0x1], $0x3000, s31, s30, $0x38;
	[tilespmem:$0x15080] =	vst v63  }
0xc0: {  	p0 =	por !p0, !p0;
	s9 =	sshrl.u32 s12, $0x19;
	_ =	swait.ge [sflag:s18], $0x3000  }
0xc1: {  	s7 =	sadd.s32 s9, s13;
	s9 =	simm.s32 $0x1;
	[sflag:s18] =	ssyncset.done $0x0  }
0xc2: {  	s7 =	sshrl.u32 s7, $0x7;
	s9 =	simm.s32 @!p0 $0x0;
	[sflag:s18] =	ssyncadd.s32 $0xFFFFD000  }
0xc3: {  	[hbm4b:s14+s30] =	stream.strided.scatter [tilespmem:s29], [sflag:$0x1], $0x3000, s31, s30, $0x38;
	[tilespmem:$0x15080] =	vst v63  }
0xc4: {  	s7 =	ssub.s32 s7, s9;
	_ =	swait.ge [sflag:s18], $0x3000  }
0xc5: {  	s6 =	sadd.s32 $0x1, s6;
	s7 =	sshll.u32 s7, $0x7;
	[sflag:s18] =	ssyncset.done $0x0  }
0xc6: {  	p0 =	sne.s32 s6, s16;
	v4 =	vmov s7;
	[sflag:s18] =	ssyncadd.s32 $0xFFFFD000  }
.Ltmp2:
0xc7: {  	s13 =	simm.s32 $0x15000;
	[tilespmem:$0x15000] =	vst v4;
	(pc) =	sbr.rel @p0 .LBB2_1-.Ltmp2, $4  }
0xc8: {  	[hbm4b:s15+s8] =	stream.linear.scatter [tilespmem:s13], [sflag:$0x1], $0x80, $0x38;
	[tilespmem:$0x15080] =	vst v63  }
0xc9: {  	_ =	swait.ge [sflag:s18], $0x80  }
0xca: {  	[sflag:s18] =	ssyncset.done $0x0  }
0xcb: {  	[sflag:s18] =	ssyncadd.s32 $0xFFFFFF80  }
0xcc: {  	_ =	sfence.sel $0x180000  }
0xcd: {  	[bflag:$0x0] =	sbarrier.arrive $0xFFFF  }
0xce: {  	_ =	strace $0x90000047  }
0xcf: {  	s0 =	stileid.u32;
	[bflag:$0x2] =	sbarrier.arrive $0xFFFF  }
0xd0: {  	p0 =	sne.s32 s0, $0x0;
	s0 =	rddreg [dreg:$0xd]  }
0xd1: {  	s0 =	sadd.s32 @!p0 $0x100000, s0  }
0xd2: {  	[sflag:s0] =	ssyncadd.tile.s32 @!p0 $0x1;
	_ =	shalt  }
.Lfunc_end2:
_tile_overlayer_lowered:
.L_overlay_start_2:
0xd3: {  	(tag) =	ssettag $0x2  }
0xd4: {  	s0 =	rddreg [dreg:$0x0];
	s2 =	stileid.u32  }
0xd5: {  	s1 =	rddreg [dreg:$0x1];
	p0 =	sne.s32 s2, $0x0  }
0xd6: {  	s3 =	rddreg [dreg:$0x2];
	[bflag:$0x3] =	sbarrier.arrive $0xFFFF;
	s2 =	simm.s32 @!p0 $0x1C01  }
0xd7: {  	[timem:s3], [sflag:s2] =	dma.local @!p0 [hbm:s0], s1  }
0xd8: {  	s0 =	simm.s32 @!p0 $0x1  }
0xd9: {  	_ =	swait.ge @!p0 [sflag:s0], s1  }
0xda: {  	s1 =	ssub.s32 @!p0 $0x0, s1;
	[sflag:s0] =	ssyncset.done @!p0 $0x0  }
0xdb: {  	[sflag:s0] =	ssyncadd.s32 @!p0 s1  }
0xdc: {  	[bflag:$0x3] =	sbarrier.arrive $0xFFFF  }
0xdd: {  	_ =	shalt  }

</sc_bundles>
